<compile_context>
chip_gen: v7x
topology: tpu7x:2x2x1
jax: 0.10.2.dev20260603
libtpu: 0.0.44.dev20260713+nightly
codegen_flags: <defaults>
</compile_context>

<pallas_src>
import functools

import jax
import jax.numpy as jnp
from jax import lax
from jax.experimental import pallas as pl
from jax.experimental.pallas import tpu as pltpu
from jax.experimental.pallas import tpu_sc as plsc

N_NODES = 10000
N_EDGES = 320000
D = 128

NC = 2
NS = 16
NW = NC * NS

CH = 128
PCH = 16
NBLK_F = 8
NBLK_S = 2
FASTC = 0
NBLK = NS * (NBLK_F + NBLK_S)
E_PAD = NBLK * PCH * CH

ACC_PT = (-(-(N_NODES + 1) // NS) + 127) // 128 * 128
ACC_N = ACC_PT * NS


def _sc_body(x_hbm, srci_hbm, dsti_hbm, z_hbm, out_hbm,
             idx_s_v, idx_d_v, rows0, rows1, sem0, sem1, accum):
    c = lax.axis_index("c")
    s = lax.axis_index("s")

    pltpu.sync_copy(z_hbm, accum.at[pl.ds(s * ACC_PT, ACC_PT)])
    plsc.subcore_barrier()

    fast = c == FASTC
    nblk = jnp.where(fast, NBLK_F, NBLK_S)
    blk0 = jnp.where(fast, s * NBLK_F, NS * NBLK_F + s * NBLK_S)

    def block(p, carry):
        pltpu.sync_copy(srci_hbm.at[blk0 + p], idx_s_v)
        pltpu.sync_copy(dsti_hbm.at[blk0 + p], idx_d_v)
        pltpu.async_copy(x_hbm.at[idx_s_v.at[0]], rows0, sem0)
        pltpu.async_copy(x_hbm.at[idx_s_v.at[1]], rows1, sem1)

        def pair(jj, carry2):
            j = 2 * jj
            pltpu.make_async_copy(x_hbm.at[idx_s_v.at[j]], rows0, sem0).wait()
            pltpu.sync_copy(rows0, accum.at[idx_d_v.at[j]], add=True)
            pltpu.async_copy(x_hbm.at[idx_s_v.at[j + 2]], rows0, sem0)
            pltpu.make_async_copy(x_hbm.at[idx_s_v.at[j + 1]], rows1, sem1).wait()
            pltpu.sync_copy(rows1, accum.at[idx_d_v.at[j + 1]], add=True)
            pltpu.async_copy(x_hbm.at[idx_s_v.at[j + 3]], rows1, sem1)
            return carry2

        lax.fori_loop(0, PCH // 2 - 1, pair, 0)
        jl = PCH - 2
        pltpu.make_async_copy(x_hbm.at[idx_s_v.at[jl]], rows0, sem0).wait()
        pltpu.sync_copy(rows0, accum.at[idx_d_v.at[jl]], add=True)
        pltpu.make_async_copy(x_hbm.at[idx_s_v.at[jl + 1]], rows1, sem1).wait()
        pltpu.sync_copy(rows1, accum.at[idx_d_v.at[jl + 1]], add=True)
        return carry

    lax.fori_loop(0, nblk, block, 0)
    plsc.subcore_barrier()

    pltpu.sync_copy(accum.at[pl.ds(s * ACC_PT, ACC_PT)],
                    out_hbm.at[c, pl.ds(s * ACC_PT, ACC_PT)])


_sc_call = pl.kernel(
    _sc_body,
    out_type=jax.ShapeDtypeStruct((NC, ACC_N, D), jnp.float32),
    mesh=plsc.VectorSubcoreMesh(core_axis_name="c", subcore_axis_name="s",
                                num_cores=NC, num_subcores=NS),
    scratch_types=[
        pltpu.VMEM((PCH, CH), jnp.int32),
        pltpu.VMEM((PCH, CH), jnp.int32),
        pltpu.VMEM((CH, D), jnp.float32),
        pltpu.VMEM((CH, D), jnp.float32),
        pltpu.SemaphoreType.DMA,
        pltpu.SemaphoreType.DMA,
        pltpu.VMEM_SHARED((ACC_N, D), jnp.float32),
    ],
)


def _tc_body(p_ref, x_ref, w_ref, b_ref, hagg_ref, emb_ref):
    hagg_ref[...] = p_ref[0] + p_ref[1]
    emb_ref[...] = lax.dot_general(
        x_ref[...], w_ref[...], (((1,), (1,)), ((), ())),
        preferred_element_type=jnp.float32) + b_ref[...]


BLK = 1000


def _tc_call(partials, x, W, b2):
    return pl.pallas_call(
        _tc_body,
        grid=(N_NODES // BLK,),
        in_specs=[
            pl.BlockSpec((NC, BLK, D), lambda i: (0, i, 0)),
            pl.BlockSpec((BLK, D), lambda i: (i, 0)),
            pl.BlockSpec((D, D), lambda i: (0, 0)),
            pl.BlockSpec((1, D), lambda i: (0, 0)),
        ],
        out_specs=[pl.BlockSpec((BLK, D), lambda i: (i, 0)),
                   pl.BlockSpec((BLK, D), lambda i: (i, 0))],
        out_shape=[jax.ShapeDtypeStruct((N_NODES, D), jnp.float32),
                   jax.ShapeDtypeStruct((N_NODES, D), jnp.float32)],
    )(partials, x, W, b2)


@jax.jit
def kernel(x, edge_index, W, b):
    src = edge_index[0].astype(jnp.int32)
    dst = edge_index[1].astype(jnp.int32)
    pad = E_PAD - N_EDGES
    src_p = jnp.concatenate([src, jnp.zeros((pad,), jnp.int32)]).reshape(NBLK, PCH, CH)
    dst_p = jnp.concatenate([dst, jnp.full((pad,), N_NODES, jnp.int32)]).reshape(NBLK, PCH, CH)
    z = jnp.zeros((ACC_PT, D), jnp.float32)
    partials = _sc_call(x, src_p, dst_p, z)
    h_agg, emb = _tc_call(partials, x, W, b.reshape(1, D))
    return (h_agg, emb)

# --- scband reference (transcript-rebuilt; emitter-appended) ---
"""Pipeline reference for scband-gcnlayer-65936337928420 (READ-ONLY COPY).

The authoritative reference and input builder live on the scoring server;
editing this copy changes nothing except your own understanding.
"""

import jax, jax.numpy as jnp
import numpy as np

N_NODES = 10000
N_EDGES = 320000
D_IN = 128
D_HID = 128


def setup_inputs(seed: int = 0) -> dict:
    key = jax.random.key(seed)
    k1, k2, k3 = jax.random.split(key, 3)
    x = jax.random.normal(k1, (N_NODES, D_IN), dtype=jnp.float32)
    edge_index = jax.random.randint(k2, (2, N_EDGES), 0, N_NODES, dtype=jnp.int64)
    W = jax.random.normal(k3, (D_HID, D_IN), dtype=jnp.float32) * (1.0 / np.sqrt(D_IN))
    b = jnp.zeros((D_HID,), dtype=jnp.float32)
    return {"x": x, "edge_index": edge_index, "W": W, "b": b}


def reference(x, edge_index, W, b):
    # DGL semantics of the module:
    #   send: msg = src['embeddings']  (gather of x rows by src index)
    #   recv: h_agg = sum of mailbox msgs per dst node (scatter-add / segment_sum)
    #   h = popped original embeddings (== inputs)
    #   new ndata['embeddings'] = linear(h) = linear(inputs)
    # Forward returns (g, h); the graph carries ndata['h'] = h_agg and
    # ndata['embeddings'] = linear(inputs). We expose both computed tensors.
    src = edge_index[0]
    dst = edge_index[1]
    msgs = jnp.take(x, src, axis=0)                      # gather  [E, D_IN]
    h_agg = jax.ops.segment_sum(msgs, dst, num_segments=x.shape[0])  # scatter-add [N, D_IN]
    emb_new = x @ W.T + b                                # linear(inputs) [N, D_HID]
    return (h_agg, emb_new)

if __name__ == "__main__":
    import jax
    _d = setup_inputs()
    print(jax.jit(kernel)(*tuple(_d.values())))

</pallas_src>

<mosaic_0001>
#map = affine_map<(d0, d1) -> (0, 0)>
#map1 = affine_map<(d0, d1) -> (0, 0, 0)>
module attributes {stable_mosaic.version = 14 : i64} {
  func.func @_sc_body(%arg0: i32, %arg1: i32, %arg2: memref<10000x128xf32, #tpu.memory_space<hbm>>, %arg3: memref<160x16x128xi32, #tpu.memory_space<hbm>>, %arg4: memref<160x16x128xi32, #tpu.memory_space<hbm>>, %arg5: memref<640x128xf32, #tpu.memory_space<hbm>>, %arg6: memref<2x10240x128xf32, #tpu.memory_space<hbm>>, %arg7: memref<16x128xi32, #tpu.memory_space<vmem>>, %arg8: memref<16x128xi32, #tpu.memory_space<vmem>>, %arg9: memref<128x128xf32, #tpu.memory_space<vmem>>, %arg10: memref<128x128xf32, #tpu.memory_space<vmem>>, %arg11: memref<!tpu.dma_semaphore, #tpu.memory_space<semaphore_mem>>, %arg12: memref<!tpu.dma_semaphore, #tpu.memory_space<semaphore_mem>>, %arg13: memref<10240x128xf32, #tpu.memory_space<vmem_shared>>) attributes {dimension_semantics = [#tpu.dimension_semantics<core_parallel>, #tpu.dimension_semantics<subcore_parallel>], iteration_bounds = array<i64: 2, 16>, scalar_prefetch = 0 : i64, scratch_operands = 7 : i64, tpu.core_type = #tpu.core_type<sc_vector_subcore>, window_params = [{transform_indices = #map}, {transform_indices = #map1}, {transform_indices = #map1}, {transform_indices = #map}, {transform_indices = #map1}]} {
    %mul3A = arith.constant 640 : i32
    %mul3A_0 = arith.muli %arg1, %mul3A : i32
    "tpu.region"() ({
      %run_scoped3A = tpu.sem_alloc : memref<!tpu.dma_semaphore, #tpu.memory_space<semaphore_mem>>
      %dma_start3A = arith.constant 0 : i32
      %dma_start3A_23 = tpu.memref_slice %arg13[%mul3A_0, %dma_start3A] : memref<10240x128xf32, #tpu.memory_space<vmem_shared>> -> memref<640x128xf32, #tpu.memory_space<vmem_shared>>
      tpu.enqueue_dma source(%arg5 : memref<640x128xf32, #tpu.memory_space<hbm>>) target(%dma_start3A_23 : memref<640x128xf32, #tpu.memory_space<vmem_shared>>) target_semaphore(%run_scoped3A : memref<!tpu.dma_semaphore, #tpu.memory_space<semaphore_mem>>)
      %dma_wait3A = arith.constant 0 : i32
      %dma_wait3A_24 = tpu.memref_slice %arg13[%mul3A_0, %dma_wait3A] : memref<10240x128xf32, #tpu.memory_space<vmem_shared>> -> memref<640x128xf32, #tpu.memory_space<vmem_shared>>
      tpu.wait_dma2 semaphore(%run_scoped3A : memref<!tpu.dma_semaphore, #tpu.memory_space<semaphore_mem>>) src(%arg5 : memref<640x128xf32, #tpu.memory_space<hbm>>) dst(%dma_wait3A_24 : memref<640x128xf32, #tpu.memory_space<vmem_shared>>)
      tpu.yield
    }) : () -> ()
    %barrier3A = arith.constant 0 : index
    tpu.barrier barrier_id(%barrier3A)
    %eq3A = arith.constant 0 : i32
    %eq3A_1 = arith.cmpi eq, %arg0, %eq3A : i32
    %jit3A = arith.constant 8 : i32
    %jit3A_2 = arith.constant 2 : i32
    %select_n3A = arith.select %eq3A_1, %jit3A, %jit3A_2 : i32
    %mul3A_3 = arith.constant 8 : i32
    %mul3A_4 = arith.muli %arg1, %mul3A_3 : i32
    %mul3A_5 = arith.constant 2 : i32
    %mul3A_6 = arith.muli %arg1, %mul3A_5 : i32
    %add3A = arith.constant 128 : i32
    %add3A_7 = arith.addi %add3A, %mul3A_6 : i32
    %select_n3A_8 = arith.select %eq3A_1, %mul3A_4, %add3A_7 : i32
    %while3A = arith.constant 0 : i32
    %while3A_9 = arith.constant 0 : i32
    %while3A_10 = arith.subi %select_n3A, %while3A_9 : i32
    %while3A_11 = arith.addi %while3A_9, %while3A_10 : i32
    %while3A_12 = arith.constant 1 : i32
    %while3A_13 = arith.divsi %while3A_10, %while3A_12 : i32
    %while3A_14 = arith.muli %while3A_13, %while3A_12 : i32
    %while3A_15 = arith.addi %while3A_9, %while3A_14 : i32
    %while3A_16 = arith.constant 1 : i32
    scf.for %while3A_23 = %while3A_9 to %while3A_15 step %while3A_16  : i32 {
      %add3A_24 = arith.addi %select_n3A_8, %while3A_23 : i32
      "tpu.region"() ({
        %run_scoped3A_58 = tpu.sem_alloc : memref<!tpu.dma_semaphore, #tpu.memory_space<semaphore_mem>>
        %dma_start3A_59 = arith.constant 0 : i32
        %dma_start3A_60 = arith.constant 0 : i32
        %dma_start3A_61 = tpu.memref_slice %arg3[%add3A_24, %dma_start3A_59, %dma_start3A_60] : memref<160x16x128xi32, #tpu.memory_space<hbm>> -> memref<1x16x128xi32, #tpu.memory_space<hbm>>
        %dma_start3A_62 = tpu.memref_squeeze %dma_start3A_61 : memref<1x16x128xi32, #tpu.memory_space<hbm>> -> memref<16x128xi32, #tpu.memory_space<hbm>>
        %dma_start3A_63 = arith.constant 0 : i32
        %dma_start3A_64 = arith.constant 0 : i32
        %dma_start3A_65 = tpu.memref_slice %arg3[%add3A_24, %dma_start3A_63, %dma_start3A_64] : memref<160x16x128xi32, #tpu.memory_space<hbm>> -> memref<1x16x128xi32, #tpu.memory_space<hbm>>
        %dma_start3A_66 = tpu.memref_squeeze %dma_start3A_65 : memref<1x16x128xi32, #tpu.memory_space<hbm>> -> memref<16x128xi32, #tpu.memory_space<hbm>>
        tpu.enqueue_dma source(%dma_start3A_66 : memref<16x128xi32, #tpu.memory_space<hbm>>) target(%arg7 : memref<16x128xi32, #tpu.memory_space<vmem>>) target_semaphore(%run_scoped3A_58 : memref<!tpu.dma_semaphore, #tpu.memory_space<semaphore_mem>>)
        %dma_wait3A_67 = arith.constant 0 : i32
        %dma_wait3A_68 = arith.constant 0 : i32
        %dma_wait3A_69 = tpu.memref_slice %arg3[%add3A_24, %dma_wait3A_67, %dma_wait3A_68] : memref<160x16x128xi32, #tpu.memory_space<hbm>> -> memref<1x16x128xi32, #tpu.memory_space<hbm>>
        %dma_wait3A_70 = tpu.memref_squeeze %dma_wait3A_69 : memref<1x16x128xi32, #tpu.memory_space<hbm>> -> memref<16x128xi32, #tpu.memory_space<hbm>>
        %dma_wait3A_71 = arith.constant 0 : i32
        %dma_wait3A_72 = arith.constant 0 : i32
        %dma_wait3A_73 = tpu.memref_slice %arg3[%add3A_24, %dma_wait3A_71, %dma_wait3A_72] : memref<160x16x128xi32, #tpu.memory_space<hbm>> -> memref<1x16x128xi32, #tpu.memory_space<hbm>>
        %dma_wait3A_74 = tpu.memref_squeeze %dma_wait3A_73 : memref<1x16x128xi32, #tpu.memory_space<hbm>> -> memref<16x128xi32, #tpu.memory_space<hbm>>
        tpu.wait_dma2 semaphore(%run_scoped3A_58 : memref<!tpu.dma_semaphore, #tpu.memory_space<semaphore_mem>>) src(%dma_wait3A_74 : memref<16x128xi32, #tpu.memory_space<hbm>>) dst(%arg7 : memref<16x128xi32, #tpu.memory_space<vmem>>)
        tpu.yield
      }) : () -> ()
      %add3A_25 = arith.addi %select_n3A_8, %while3A_23 : i32
      "tpu.region"() ({
        %run_scoped3A_58 = tpu.sem_alloc : memref<!tpu.dma_semaphore, #tpu.memory_space<semaphore_mem>>
        %dma_start3A_59 = arith.constant 0 : i32
        %dma_start3A_60 = arith.constant 0 : i32
        %dma_start3A_61 = tpu.memref_slice %arg4[%add3A_25, %dma_start3A_59, %dma_start3A_60] : memref<160x16x128xi32, #tpu.memory_space<hbm>> -> memref<1x16x128xi32, #tpu.memory_space<hbm>>
        %dma_start3A_62 = tpu.memref_squeeze %dma_start3A_61 : memref<1x16x128xi32, #tpu.memory_space<hbm>> -> memref<16x128xi32, #tpu.memory_space<hbm>>
        %dma_start3A_63 = arith.constant 0 : i32
        %dma_start3A_64 = arith.constant 0 : i32
        %dma_start3A_65 = tpu.memref_slice %arg4[%add3A_25, %dma_start3A_63, %dma_start3A_64] : memref<160x16x128xi32, #tpu.memory_space<hbm>> -> memref<1x16x128xi32, #tpu.memory_space<hbm>>
        %dma_start3A_66 = tpu.memref_squeeze %dma_start3A_65 : memref<1x16x128xi32, #tpu.memory_space<hbm>> -> memref<16x128xi32, #tpu.memory_space<hbm>>
        tpu.enqueue_dma source(%dma_start3A_66 : memref<16x128xi32, #tpu.memory_space<hbm>>) target(%arg8 : memref<16x128xi32, #tpu.memory_space<vmem>>) target_semaphore(%run_scoped3A_58 : memref<!tpu.dma_semaphore, #tpu.memory_space<semaphore_mem>>)
        %dma_wait3A_67 = arith.constant 0 : i32
        %dma_wait3A_68 = arith.constant 0 : i32
        %dma_wait3A_69 = tpu.memref_slice %arg4[%add3A_25, %dma_wait3A_67, %dma_wait3A_68] : memref<160x16x128xi32, #tpu.memory_space<hbm>> -> memref<1x16x128xi32, #tpu.memory_space<hbm>>
        %dma_wait3A_70 = tpu.memref_squeeze %dma_wait3A_69 : memref<1x16x128xi32, #tpu.memory_space<hbm>> -> memref<16x128xi32, #tpu.memory_space<hbm>>
        %dma_wait3A_71 = arith.constant 0 : i32
        %dma_wait3A_72 = arith.constant 0 : i32
        %dma_wait3A_73 = tpu.memref_slice %arg4[%add3A_25, %dma_wait3A_71, %dma_wait3A_72] : memref<160x16x128xi32, #tpu.memory_space<hbm>> -> memref<1x16x128xi32, #tpu.memory_space<hbm>>
        %dma_wait3A_74 = tpu.memref_squeeze %dma_wait3A_73 : memref<1x16x128xi32, #tpu.memory_space<hbm>> -> memref<16x128xi32, #tpu.memory_space<hbm>>
        tpu.wait_dma2 semaphore(%run_scoped3A_58 : memref<!tpu.dma_semaphore, #tpu.memory_space<semaphore_mem>>) src(%dma_wait3A_74 : memref<16x128xi32, #tpu.memory_space<hbm>>) dst(%arg8 : memref<16x128xi32, #tpu.memory_space<vmem>>)
        tpu.yield
      }) : () -> ()
      %dma_start3A = arith.constant 0 : i32
      %dma_start3A_26 = arith.constant 0 : i32
      %dma_start3A_27 = tpu.memref_slice %arg7[%dma_start3A, %dma_start3A_26] : memref<16x128xi32, #tpu.memory_space<vmem>> -> memref<1x128xi32, #tpu.memory_space<vmem>>
      %dma_start3A_28 = tpu.memref_squeeze %dma_start3A_27 : memref<1x128xi32, #tpu.memory_space<vmem>> -> memref<128xi32, #tpu.memory_space<vmem>>
      %dma_start3A_29 = arith.constant 0 : i32
      %dma_start3A_30 = arith.constant 0 : i32
      %dma_start3A_31 = tpu.memref_slice %arg2[%dma_start3A_29, %dma_start3A_30] : memref<10000x128xf32, #tpu.memory_space<hbm>> -> memref<10000x128xf32, #tpu.memory_space<hbm>>
      tpu.enqueue_indirect_dma source(%dma_start3A_31 : memref<10000x128xf32, #tpu.memory_space<hbm>>) target(%arg9 : memref<128x128xf32, #tpu.memory_space<vmem>>) offsets(%dma_start3A_28 : memref<128xi32, #tpu.memory_space<vmem>>) semaphore(%arg11 : memref<!tpu.dma_semaphore, #tpu.memory_space<semaphore_mem>>)
      %dma_start3A_32 = arith.constant 1 : i32
      %dma_start3A_33 = arith.constant 0 : i32
      %dma_start3A_34 = tpu.memref_slice %arg7[%dma_start3A_32, %dma_start3A_33] : memref<16x128xi32, #tpu.memory_space<vmem>> -> memref<1x128xi32, #tpu.memory_space<vmem>>
      %dma_start3A_35 = tpu.memref_squeeze %dma_start3A_34 : memref<1x128xi32, #tpu.memory_space<vmem>> -> memref<128xi32, #tpu.memory_space<vmem>>
      %dma_start3A_36 = arith.constant 0 : i32
      %dma_start3A_37 = arith.constant 0 : i32
      %dma_start3A_38 = tpu.memref_slice %arg2[%dma_start3A_36, %dma_start3A_37] : memref<10000x128xf32, #tpu.memory_space<hbm>> -> memref<10000x128xf32, #tpu.memory_space<hbm>>
      tpu.enqueue_indirect_dma source(%dma_start3A_38 : memref<10000x128xf32, #tpu.memory_space<hbm>>) target(%arg10 : memref<128x128xf32, #tpu.memory_space<vmem>>) offsets(%dma_start3A_35 : memref<128xi32, #tpu.memory_space<vmem>>) semaphore(%arg12 : memref<!tpu.dma_semaphore, #tpu.memory_space<semaphore_mem>>)
      %scan3A = arith.constant 0 : i32
      %scan3A_39 = arith.constant 0 : i32
      %scan3A_40 = arith.constant 7 : i32
      %scan3A_41 = arith.addi %scan3A_39, %scan3A_40 : i32
      %scan3A_42 = arith.constant 1 : i32
      scf.for %scan3A_58 = %scan3A_39 to %scan3A_41 step %scan3A_42  : i32 {
        %mul3A_59 = arith.constant 2 : i32
        %mul3A_60 = arith.muli %mul3A_59, %scan3A_58 : i32
        %dma_wait3A_61 = arith.constant 0 : i32
        %dma_wait3A_62 = tpu.memref_slice %arg7[%mul3A_60, %dma_wait3A_61] : memref<16x128xi32, #tpu.memory_space<vmem>> -> memref<1x128xi32, #tpu.memory_space<vmem>>
        %dma_wait3A_63 = tpu.memref_squeeze %dma_wait3A_62 : memref<1x128xi32, #tpu.memory_space<vmem>> -> memref<128xi32, #tpu.memory_space<vmem>>
        %dma_wait3A_64 = arith.constant 0 : i32
        %dma_wait3A_65 = arith.constant 0 : i32
        %dma_wait3A_66 = tpu.memref_slice %arg2[%dma_wait3A_64, %dma_wait3A_65] : memref<10000x128xf32, #tpu.memory_space<hbm>> -> memref<10000x128xf32, #tpu.memory_space<hbm>>
        tpu.wait_indirect_dma semaphore(%arg11 : memref<!tpu.dma_semaphore, #tpu.memory_space<semaphore_mem>>) src(%dma_wait3A_66 : memref<10000x128xf32, #tpu.memory_space<hbm>>) dst(%arg9 : memref<128x128xf32, #tpu.memory_space<vmem>>)
        "tpu.region"() ({
          %run_scoped3A_93 = tpu.sem_alloc : memref<!tpu.dma_semaphore, #tpu.memory_space<semaphore_mem>>
          %dma_start3A_94 = arith.constant 0 : i32
          %dma_start3A_95 = tpu.memref_slice %arg8[%mul3A_60, %dma_start3A_94] : memref<16x128xi32, #tpu.memory_space<vmem>> -> memref<1x128xi32, #tpu.memory_space<vmem>>
          %dma_start3A_96 = tpu.memref_squeeze %dma_start3A_95 : memref<1x128xi32, #tpu.memory_space<vmem>> -> memref<128xi32, #tpu.memory_space<vmem>>
          %dma_start3A_97 = arith.constant 0 : i32
          %dma_start3A_98 = arith.constant 0 : i32
          %dma_start3A_99 = tpu.memref_slice %arg13[%dma_start3A_97, %dma_start3A_98] : memref<10240x128xf32, #tpu.memory_space<vmem_shared>> -> memref<10240x128xf32, #tpu.memory_space<vmem_shared>>
          tpu.enqueue_indirect_dma source(%arg9 : memref<128x128xf32, #tpu.memory_space<vmem>>) target(%dma_start3A_99 : memref<10240x128xf32, #tpu.memory_space<vmem_shared>>) offsets(%dma_start3A_96 : memref<128xi32, #tpu.memory_space<vmem>>) semaphore(%run_scoped3A_93 : memref<!tpu.dma_semaphore, #tpu.memory_space<semaphore_mem>>) {add = true}
          %dma_wait3A_100 = arith.constant 0 : i32
          %dma_wait3A_101 = tpu.memref_slice %arg8[%mul3A_60, %dma_wait3A_100] : memref<16x128xi32, #tpu.memory_space<vmem>> -> memref<1x128xi32, #tpu.memory_space<vmem>>
          %dma_wait3A_102 = tpu.memref_squeeze %dma_wait3A_101 : memref<1x128xi32, #tpu.memory_space<vmem>> -> memref<128xi32, #tpu.memory_space<vmem>>
          %dma_wait3A_103 = arith.constant 0 : i32
          %dma_wait3A_104 = arith.constant 0 : i32
          %dma_wait3A_105 = tpu.memref_slice %arg13[%dma_wait3A_103, %dma_wait3A_104] : memref<10240x128xf32, #tpu.memory_space<vmem_shared>> -> memref<10240x128xf32, #tpu.memory_space<vmem_shared>>
          tpu.wait_indirect_dma semaphore(%run_scoped3A_93 : memref<!tpu.dma_semaphore, #tpu.memory_space<semaphore_mem>>) src(%arg9 : memref<128x128xf32, #tpu.memory_space<vmem>>) dst(%dma_wait3A_105 : memref<10240x128xf32, #tpu.memory_space<vmem_shared>>)
          tpu.yield
        }) : () -> ()
        %add3A_67 = arith.constant 2 : i32
        %add3A_68 = arith.addi %mul3A_60, %add3A_67 : i32
        %dma_start3A_69 = arith.constant 0 : i32
        %dma_start3A_70 = tpu.memref_slice %arg7[%add3A_68, %dma_start3A_69] : memref<16x128xi32, #tpu.memory_space<vmem>> -> memref<1x128xi32, #tpu.memory_space<vmem>>
        %dma_start3A_71 = tpu.memref_squeeze %dma_start3A_70 : memref<1x128xi32, #tpu.memory_space<vmem>> -> memref<128xi32, #tpu.memory_space<vmem>>
        %dma_start3A_72 = arith.constant 0 : i32
        %dma_start3A_73 = arith.constant 0 : i32
        %dma_start3A_74 = tpu.memref_slice %arg2[%dma_start3A_72, %dma_start3A_73] : memref<10000x128xf32, #tpu.memory_space<hbm>> -> memref<10000x128xf32, #tpu.memory_space<hbm>>
        tpu.enqueue_indirect_dma source(%dma_start3A_74 : memref<10000x128xf32, #tpu.memory_space<hbm>>) target(%arg9 : memref<128x128xf32, #tpu.memory_space<vmem>>) offsets(%dma_start3A_71 : memref<128xi32, #tpu.memory_space<vmem>>) semaphore(%arg11 : memref<!tpu.dma_semaphore, #tpu.memory_space<semaphore_mem>>)
        %add3A_75 = arith.constant 1 : i32
        %add3A_76 = arith.addi %mul3A_60, %add3A_75 : i32
        %dma_wait3A_77 = arith.constant 0 : i32
        %dma_wait3A_78 = tpu.memref_slice %arg7[%add3A_76, %dma_wait3A_77] : memref<16x128xi32, #tpu.memory_space<vmem>> -> memref<1x128xi32, #tpu.memory_space<vmem>>
        %dma_wait3A_79 = tpu.memref_squeeze %dma_wait3A_78 : memref<1x128xi32, #tpu.memory_space<vmem>> -> memref<128xi32, #tpu.memory_space<vmem>>
        %dma_wait3A_80 = arith.constant 0 : i32
        %dma_wait3A_81 = arith.constant 0 : i32
        %dma_wait3A_82 = tpu.memref_slice %arg2[%dma_wait3A_80, %dma_wait3A_81] : memref<10000x128xf32, #tpu.memory_space<hbm>> -> memref<10000x128xf32, #tpu.memory_space<hbm>>
        tpu.wait_indirect_dma semaphore(%arg12 : memref<!tpu.dma_semaphore, #tpu.memory_space<semaphore_mem>>) src(%dma_wait3A_82 : memref<10000x128xf32, #tpu.memory_space<hbm>>) dst(%arg10 : memref<128x128xf32, #tpu.memory_space<vmem>>)
        %add3A_83 = arith.constant 1 : i32
        %add3A_84 = arith.addi %mul3A_60, %add3A_83 : i32
        "tpu.region"() ({
          %run_scoped3A_93 = tpu.sem_alloc : memref<!tpu.dma_semaphore, #tpu.memory_space<semaphore_mem>>
          %dma_start3A_94 = arith.constant 0 : i32
          %dma_start3A_95 = tpu.memref_slice %arg8[%add3A_84, %dma_start3A_94] : memref<16x128xi32, #tpu.memory_space<vmem>> -> memref<1x128xi32, #tpu.memory_space<vmem>>
          %dma_start3A_96 = tpu.memref_squeeze %dma_start3A_95 : memref<1x128xi32, #tpu.memory_space<vmem>> -> memref<128xi32, #tpu.memory_space<vmem>>
          %dma_start3A_97 = arith.constant 0 : i32
          %dma_start3A_98 = arith.constant 0 : i32
          %dma_start3A_99 = tpu.memref_slice %arg13[%dma_start3A_97, %dma_start3A_98] : memref<10240x128xf32, #tpu.memory_space<vmem_shared>> -> memref<10240x128xf32, #tpu.memory_space<vmem_shared>>
          tpu.enqueue_indirect_dma source(%arg10 : memref<128x128xf32, #tpu.memory_space<vmem>>) target(%dma_start3A_99 : memref<10240x128xf32, #tpu.memory_space<vmem_shared>>) offsets(%dma_start3A_96 : memref<128xi32, #tpu.memory_space<vmem>>) semaphore(%run_scoped3A_93 : memref<!tpu.dma_semaphore, #tpu.memory_space<semaphore_mem>>) {add = true}
          %dma_wait3A_100 = arith.constant 0 : i32
          %dma_wait3A_101 = tpu.memref_slice %arg8[%add3A_84, %dma_wait3A_100] : memref<16x128xi32, #tpu.memory_space<vmem>> -> memref<1x128xi32, #tpu.memory_space<vmem>>
          %dma_wait3A_102 = tpu.memref_squeeze %dma_wait3A_101 : memref<1x128xi32, #tpu.memory_space<vmem>> -> memref<128xi32, #tpu.memory_space<vmem>>
          %dma_wait3A_103 = arith.constant 0 : i32
          %dma_wait3A_104 = arith.constant 0 : i32
          %dma_wait3A_105 = tpu.memref_slice %arg13[%dma_wait3A_103, %dma_wait3A_104] : memref<10240x128xf32, #tpu.memory_space<vmem_shared>> -> memref<10240x128xf32, #tpu.memory_space<vmem_shared>>
          tpu.wait_indirect_dma semaphore(%run_scoped3A_93 : memref<!tpu.dma_semaphore, #tpu.memory_space<semaphore_mem>>) src(%arg10 : memref<128x128xf32, #tpu.memory_space<vmem>>) dst(%dma_wait3A_105 : memref<10240x128xf32, #tpu.memory_space<vmem_shared>>)
          tpu.yield
        }) : () -> ()
        %add3A_85 = arith.constant 3 : i32
        %add3A_86 = arith.addi %mul3A_60, %add3A_85 : i32
        %dma_start3A_87 = arith.constant 0 : i32
        %dma_start3A_88 = tpu.memref_slice %arg7[%add3A_86, %dma_start3A_87] : memref<16x128xi32, #tpu.memory_space<vmem>> -> memref<1x128xi32, #tpu.memory_space<vmem>>
        %dma_start3A_89 = tpu.memref_squeeze %dma_start3A_88 : memref<1x128xi32, #tpu.memory_space<vmem>> -> memref<128xi32, #tpu.memory_space<vmem>>
        %dma_start3A_90 = arith.constant 0 : i32
        %dma_start3A_91 = arith.constant 0 : i32
        %dma_start3A_92 = tpu.memref_slice %arg2[%dma_start3A_90, %dma_start3A_91] : memref<10000x128xf32, #tpu.memory_space<hbm>> -> memref<10000x128xf32, #tpu.memory_space<hbm>>
        tpu.enqueue_indirect_dma source(%dma_start3A_92 : memref<10000x128xf32, #tpu.memory_space<hbm>>) target(%arg10 : memref<128x128xf32, #tpu.memory_space<vmem>>) offsets(%dma_start3A_89 : memref<128xi32, #tpu.memory_space<vmem>>) semaphore(%arg12 : memref<!tpu.dma_semaphore, #tpu.memory_space<semaphore_mem>>)
      }
      %scan3A_43 = arith.constant 7 : i32
      %dma_wait3A = arith.constant 14 : i32
      %dma_wait3A_44 = arith.constant 0 : i32
      %dma_wait3A_45 = tpu.memref_slice %arg7[%dma_wait3A, %dma_wait3A_44] : memref<16x128xi32, #tpu.memory_space<vmem>> -> memref<1x128xi32, #tpu.memory_space<vmem>>
      %dma_wait3A_46 = tpu.memref_squeeze %dma_wait3A_45 : memref<1x128xi32, #tpu.memory_space<vmem>> -> memref<128xi32, #tpu.memory_space<vmem>>
      %dma_wait3A_47 = arith.constant 0 : i32
      %dma_wait3A_48 = arith.constant 0 : i32
      %dma_wait3A_49 = tpu.memref_slice %arg2[%dma_wait3A_47, %dma_wait3A_48] : memref<10000x128xf32, #tpu.memory_space<hbm>> -> memref<10000x128xf32, #tpu.memory_space<hbm>>
      tpu.wait_indirect_dma semaphore(%arg11 : memref<!tpu.dma_semaphore, #tpu.memory_space<semaphore_mem>>) src(%dma_wait3A_49 : memref<10000x128xf32, #tpu.memory_space<hbm>>) dst(%arg9 : memref<128x128xf32, #tpu.memory_space<vmem>>)
      %run_scoped3A = arith.constant 14 : i32
      "tpu.region"() ({
        %run_scoped3A_58 = tpu.sem_alloc : memref<!tpu.dma_semaphore, #tpu.memory_space<semaphore_mem>>
        %dma_start3A_59 = arith.constant 0 : i32
        %dma_start3A_60 = tpu.memref_slice %arg8[%run_scoped3A, %dma_start3A_59] : memref<16x128xi32, #tpu.memory_space<vmem>> -> memref<1x128xi32, #tpu.memory_space<vmem>>
        %dma_start3A_61 = tpu.memref_squeeze %dma_start3A_60 : memref<1x128xi32, #tpu.memory_space<vmem>> -> memref<128xi32, #tpu.memory_space<vmem>>
        %dma_start3A_62 = arith.constant 0 : i32
        %dma_start3A_63 = arith.constant 0 : i32
        %dma_start3A_64 = tpu.memref_slice %arg13[%dma_start3A_62, %dma_start3A_63] : memref<10240x128xf32, #tpu.memory_space<vmem_shared>> -> memref<10240x128xf32, #tpu.memory_space<vmem_shared>>
        tpu.enqueue_indirect_dma source(%arg9 : memref<128x128xf32, #tpu.memory_space<vmem>>) target(%dma_start3A_64 : memref<10240x128xf32, #tpu.memory_space<vmem_shared>>) offsets(%dma_start3A_61 : memref<128xi32, #tpu.memory_space<vmem>>) semaphore(%run_scoped3A_58 : memref<!tpu.dma_semaphore, #tpu.memory_space<semaphore_mem>>) {add = true}
        %dma_wait3A_65 = arith.constant 0 : i32
        %dma_wait3A_66 = tpu.memref_slice %arg8[%run_scoped3A, %dma_wait3A_65] : memref<16x128xi32, #tpu.memory_space<vmem>> -> memref<1x128xi32, #tpu.memory_space<vmem>>
        %dma_wait3A_67 = tpu.memref_squeeze %dma_wait3A_66 : memref<1x128xi32, #tpu.memory_space<vmem>> -> memref<128xi32, #tpu.memory_space<vmem>>
        %dma_wait3A_68 = arith.constant 0 : i32
        %dma_wait3A_69 = arith.constant 0 : i32
        %dma_wait3A_70 = tpu.memref_slice %arg13[%dma_wait3A_68, %dma_wait3A_69] : memref<10240x128xf32, #tpu.memory_space<vmem_shared>> -> memref<10240x128xf32, #tpu.memory_space<vmem_shared>>
        tpu.wait_indirect_dma semaphore(%run_scoped3A_58 : memref<!tpu.dma_semaphore, #tpu.memory_space<semaphore_mem>>) src(%arg9 : memref<128x128xf32, #tpu.memory_space<vmem>>) dst(%dma_wait3A_70 : memref<10240x128xf32, #tpu.memory_space<vmem_shared>>)
        tpu.yield
      }) : () -> ()
      %dma_wait3A_50 = arith.constant 15 : i32
      %dma_wait3A_51 = arith.constant 0 : i32
      %dma_wait3A_52 = tpu.memref_slice %arg7[%dma_wait3A_50, %dma_wait3A_51] : memref<16x128xi32, #tpu.memory_space<vmem>> -> memref<1x128xi32, #tpu.memory_space<vmem>>
      %dma_wait3A_53 = tpu.memref_squeeze %dma_wait3A_52 : memref<1x128xi32, #tpu.memory_space<vmem>> -> memref<128xi32, #tpu.memory_space<vmem>>
      %dma_wait3A_54 = arith.constant 0 : i32
      %dma_wait3A_55 = arith.constant 0 : i32
      %dma_wait3A_56 = tpu.memref_slice %arg2[%dma_wait3A_54, %dma_wait3A_55] : memref<10000x128xf32, #tpu.memory_space<hbm>> -> memref<10000x128xf32, #tpu.memory_space<hbm>>
      tpu.wait_indirect_dma semaphore(%arg12 : memref<!tpu.dma_semaphore, #tpu.memory_space<semaphore_mem>>) src(%dma_wait3A_56 : memref<10000x128xf32, #tpu.memory_space<hbm>>) dst(%arg10 : memref<128x128xf32, #tpu.memory_space<vmem>>)
      %run_scoped3A_57 = arith.constant 15 : i32
      "tpu.region"() ({
        %run_scoped3A_58 = tpu.sem_alloc : memref<!tpu.dma_semaphore, #tpu.memory_space<semaphore_mem>>
        %dma_start3A_59 = arith.constant 0 : i32
        %dma_start3A_60 = tpu.memref_slice %arg8[%run_scoped3A_57, %dma_start3A_59] : memref<16x128xi32, #tpu.memory_space<vmem>> -> memref<1x128xi32, #tpu.memory_space<vmem>>
        %dma_start3A_61 = tpu.memref_squeeze %dma_start3A_60 : memref<1x128xi32, #tpu.memory_space<vmem>> -> memref<128xi32, #tpu.memory_space<vmem>>
        %dma_start3A_62 = arith.constant 0 : i32
        %dma_start3A_63 = arith.constant 0 : i32
        %dma_start3A_64 = tpu.memref_slice %arg13[%dma_start3A_62, %dma_start3A_63] : memref<10240x128xf32, #tpu.memory_space<vmem_shared>> -> memref<10240x128xf32, #tpu.memory_space<vmem_shared>>
        tpu.enqueue_indirect_dma source(%arg10 : memref<128x128xf32, #tpu.memory_space<vmem>>) target(%dma_start3A_64 : memref<10240x128xf32, #tpu.memory_space<vmem_shared>>) offsets(%dma_start3A_61 : memref<128xi32, #tpu.memory_space<vmem>>) semaphore(%run_scoped3A_58 : memref<!tpu.dma_semaphore, #tpu.memory_space<semaphore_mem>>) {add = true}
        %dma_wait3A_65 = arith.constant 0 : i32
        %dma_wait3A_66 = tpu.memref_slice %arg8[%run_scoped3A_57, %dma_wait3A_65] : memref<16x128xi32, #tpu.memory_space<vmem>> -> memref<1x128xi32, #tpu.memory_space<vmem>>
        %dma_wait3A_67 = tpu.memref_squeeze %dma_wait3A_66 : memref<1x128xi32, #tpu.memory_space<vmem>> -> memref<128xi32, #tpu.memory_space<vmem>>
        %dma_wait3A_68 = arith.constant 0 : i32
        %dma_wait3A_69 = arith.constant 0 : i32
        %dma_wait3A_70 = tpu.memref_slice %arg13[%dma_wait3A_68, %dma_wait3A_69] : memref<10240x128xf32, #tpu.memory_space<vmem_shared>> -> memref<10240x128xf32, #tpu.memory_space<vmem_shared>>
        tpu.wait_indirect_dma semaphore(%run_scoped3A_58 : memref<!tpu.dma_semaphore, #tpu.memory_space<semaphore_mem>>) src(%arg10 : memref<128x128xf32, #tpu.memory_space<vmem>>) dst(%dma_wait3A_70 : memref<10240x128xf32, #tpu.memory_space<vmem_shared>>)
        tpu.yield
      }) : () -> ()
    }
    %while3A_17 = arith.constant 1 : i32
    scf.for %while3A_23 = %while3A_15 to %while3A_11 step %while3A_17  : i32 {
      %add3A_24 = arith.addi %select_n3A_8, %while3A_23 : i32
      "tpu.region"() ({
        %run_scoped3A_58 = tpu.sem_alloc : memref<!tpu.dma_semaphore, #tpu.memory_space<semaphore_mem>>
        %dma_start3A_59 = arith.constant 0 : i32
        %dma_start3A_60 = arith.constant 0 : i32
        %dma_start3A_61 = tpu.memref_slice %arg3[%add3A_24, %dma_start3A_59, %dma_start3A_60] : memref<160x16x128xi32, #tpu.memory_space<hbm>> -> memref<1x16x128xi32, #tpu.memory_space<hbm>>
        %dma_start3A_62 = tpu.memref_squeeze %dma_start3A_61 : memref<1x16x128xi32, #tpu.memory_space<hbm>> -> memref<16x128xi32, #tpu.memory_space<hbm>>
        %dma_start3A_63 = arith.constant 0 : i32
        %dma_start3A_64 = arith.constant 0 : i32
        %dma_start3A_65 = tpu.memref_slice %arg3[%add3A_24, %dma_start3A_63, %dma_start3A_64] : memref<160x16x128xi32, #tpu.memory_space<hbm>> -> memref<1x16x128xi32, #tpu.memory_space<hbm>>
        %dma_start3A_66 = tpu.memref_squeeze %dma_start3A_65 : memref<1x16x128xi32, #tpu.memory_space<hbm>> -> memref<16x128xi32, #tpu.memory_space<hbm>>
        tpu.enqueue_dma source(%dma_start3A_66 : memref<16x128xi32, #tpu.memory_space<hbm>>) target(%arg7 : memref<16x128xi32, #tpu.memory_space<vmem>>) target_semaphore(%run_scoped3A_58 : memref<!tpu.dma_semaphore, #tpu.memory_space<semaphore_mem>>)
        %dma_wait3A_67 = arith.constant 0 : i32
        %dma_wait3A_68 = arith.constant 0 : i32
        %dma_wait3A_69 = tpu.memref_slice %arg3[%add3A_24, %dma_wait3A_67, %dma_wait3A_68] : memref<160x16x128xi32, #tpu.memory_space<hbm>> -> memref<1x16x128xi32, #tpu.memory_space<hbm>>
        %dma_wait3A_70 = tpu.memref_squeeze %dma_wait3A_69 : memref<1x16x128xi32, #tpu.memory_space<hbm>> -> memref<16x128xi32, #tpu.memory_space<hbm>>
        %dma_wait3A_71 = arith.constant 0 : i32
        %dma_wait3A_72 = arith.constant 0 : i32
        %dma_wait3A_73 = tpu.memref_slice %arg3[%add3A_24, %dma_wait3A_71, %dma_wait3A_72] : memref<160x16x128xi32, #tpu.memory_space<hbm>> -> memref<1x16x128xi32, #tpu.memory_space<hbm>>
        %dma_wait3A_74 = tpu.memref_squeeze %dma_wait3A_73 : memref<1x16x128xi32, #tpu.memory_space<hbm>> -> memref<16x128xi32, #tpu.memory_space<hbm>>
        tpu.wait_dma2 semaphore(%run_scoped3A_58 : memref<!tpu.dma_semaphore, #tpu.memory_space<semaphore_mem>>) src(%dma_wait3A_74 : memref<16x128xi32, #tpu.memory_space<hbm>>) dst(%arg7 : memref<16x128xi32, #tpu.memory_space<vmem>>)
        tpu.yield
      }) : () -> ()
      %add3A_25 = arith.addi %select_n3A_8, %while3A_23 : i32
      "tpu.region"() ({
        %run_scoped3A_58 = tpu.sem_alloc : memref<!tpu.dma_semaphore, #tpu.memory_space<semaphore_mem>>
        %dma_start3A_59 = arith.constant 0 : i32
        %dma_start3A_60 = arith.constant 0 : i32
        %dma_start3A_61 = tpu.memref_slice %arg4[%add3A_25, %dma_start3A_59, %dma_start3A_60] : memref<160x16x128xi32, #tpu.memory_space<hbm>> -> memref<1x16x128xi32, #tpu.memory_space<hbm>>
        %dma_start3A_62 = tpu.memref_squeeze %dma_start3A_61 : memref<1x16x128xi32, #tpu.memory_space<hbm>> -> memref<16x128xi32, #tpu.memory_space<hbm>>
        %dma_start3A_63 = arith.constant 0 : i32
        %dma_start3A_64 = arith.constant 0 : i32
        %dma_start3A_65 = tpu.memref_slice %arg4[%add3A_25, %dma_start3A_63, %dma_start3A_64] : memref<160x16x128xi32, #tpu.memory_space<hbm>> -> memref<1x16x128xi32, #tpu.memory_space<hbm>>
        %dma_start3A_66 = tpu.memref_squeeze %dma_start3A_65 : memref<1x16x128xi32, #tpu.memory_space<hbm>> -> memref<16x128xi32, #tpu.memory_space<hbm>>
        tpu.enqueue_dma source(%dma_start3A_66 : memref<16x128xi32, #tpu.memory_space<hbm>>) target(%arg8 : memref<16x128xi32, #tpu.memory_space<vmem>>) target_semaphore(%run_scoped3A_58 : memref<!tpu.dma_semaphore, #tpu.memory_space<semaphore_mem>>)
        %dma_wait3A_67 = arith.constant 0 : i32
        %dma_wait3A_68 = arith.constant 0 : i32
        %dma_wait3A_69 = tpu.memref_slice %arg4[%add3A_25, %dma_wait3A_67, %dma_wait3A_68] : memref<160x16x128xi32, #tpu.memory_space<hbm>> -> memref<1x16x128xi32, #tpu.memory_space<hbm>>
        %dma_wait3A_70 = tpu.memref_squeeze %dma_wait3A_69 : memref<1x16x128xi32, #tpu.memory_space<hbm>> -> memref<16x128xi32, #tpu.memory_space<hbm>>
        %dma_wait3A_71 = arith.constant 0 : i32
        %dma_wait3A_72 = arith.constant 0 : i32
        %dma_wait3A_73 = tpu.memref_slice %arg4[%add3A_25, %dma_wait3A_71, %dma_wait3A_72] : memref<160x16x128xi32, #tpu.memory_space<hbm>> -> memref<1x16x128xi32, #tpu.memory_space<hbm>>
        %dma_wait3A_74 = tpu.memref_squeeze %dma_wait3A_73 : memref<1x16x128xi32, #tpu.memory_space<hbm>> -> memref<16x128xi32, #tpu.memory_space<hbm>>
        tpu.wait_dma2 semaphore(%run_scoped3A_58 : memref<!tpu.dma_semaphore, #tpu.memory_space<semaphore_mem>>) src(%dma_wait3A_74 : memref<16x128xi32, #tpu.memory_space<hbm>>) dst(%arg8 : memref<16x128xi32, #tpu.memory_space<vmem>>)
        tpu.yield
      }) : () -> ()
      %dma_start3A = arith.constant 0 : i32
      %dma_start3A_26 = arith.constant 0 : i32
      %dma_start3A_27 = tpu.memref_slice %arg7[%dma_start3A, %dma_start3A_26] : memref<16x128xi32, #tpu.memory_space<vmem>> -> memref<1x128xi32, #tpu.memory_space<vmem>>
      %dma_start3A_28 = tpu.memref_squeeze %dma_start3A_27 : memref<1x128xi32, #tpu.memory_space<vmem>> -> memref<128xi32, #tpu.memory_space<vmem>>
      %dma_start3A_29 = arith.constant 0 : i32
      %dma_start3A_30 = arith.constant 0 : i32
      %dma_start3A_31 = tpu.memref_slice %arg2[%dma_start3A_29, %dma_start3A_30] : memref<10000x128xf32, #tpu.memory_space<hbm>> -> memref<10000x128xf32, #tpu.memory_space<hbm>>
      tpu.enqueue_indirect_dma source(%dma_start3A_31 : memref<10000x128xf32, #tpu.memory_space<hbm>>) target(%arg9 : memref<128x128xf32, #tpu.memory_space<vmem>>) offsets(%dma_start3A_28 : memref<128xi32, #tpu.memory_space<vmem>>) semaphore(%arg11 : memref<!tpu.dma_semaphore, #tpu.memory_space<semaphore_mem>>)
      %dma_start3A_32 = arith.constant 1 : i32
      %dma_start3A_33 = arith.constant 0 : i32
      %dma_start3A_34 = tpu.memref_slice %arg7[%dma_start3A_32, %dma_start3A_33] : memref<16x128xi32, #tpu.memory_space<vmem>> -> memref<1x128xi32, #tpu.memory_space<vmem>>
      %dma_start3A_35 = tpu.memref_squeeze %dma_start3A_34 : memref<1x128xi32, #tpu.memory_space<vmem>> -> memref<128xi32, #tpu.memory_space<vmem>>
      %dma_start3A_36 = arith.constant 0 : i32
      %dma_start3A_37 = arith.constant 0 : i32
      %dma_start3A_38 = tpu.memref_slice %arg2[%dma_start3A_36, %dma_start3A_37] : memref<10000x128xf32, #tpu.memory_space<hbm>> -> memref<10000x128xf32, #tpu.memory_space<hbm>>
      tpu.enqueue_indirect_dma source(%dma_start3A_38 : memref<10000x128xf32, #tpu.memory_space<hbm>>) target(%arg10 : memref<128x128xf32, #tpu.memory_space<vmem>>) offsets(%dma_start3A_35 : memref<128xi32, #tpu.memory_space<vmem>>) semaphore(%arg12 : memref<!tpu.dma_semaphore, #tpu.memory_space<semaphore_mem>>)
      %scan3A = arith.constant 0 : i32
      %scan3A_39 = arith.constant 0 : i32
      %scan3A_40 = arith.constant 7 : i32
      %scan3A_41 = arith.addi %scan3A_39, %scan3A_40 : i32
      %scan3A_42 = arith.constant 1 : i32
      scf.for %scan3A_58 = %scan3A_39 to %scan3A_41 step %scan3A_42  : i32 {
        %mul3A_59 = arith.constant 2 : i32
        %mul3A_60 = arith.muli %mul3A_59, %scan3A_58 : i32
        %dma_wait3A_61 = arith.constant 0 : i32
        %dma_wait3A_62 = tpu.memref_slice %arg7[%mul3A_60, %dma_wait3A_61] : memref<16x128xi32, #tpu.memory_space<vmem>> -> memref<1x128xi32, #tpu.memory_space<vmem>>
        %dma_wait3A_63 = tpu.memref_squeeze %dma_wait3A_62 : memref<1x128xi32, #tpu.memory_space<vmem>> -> memref<128xi32, #tpu.memory_space<vmem>>
        %dma_wait3A_64 = arith.constant 0 : i32
        %dma_wait3A_65 = arith.constant 0 : i32
        %dma_wait3A_66 = tpu.memref_slice %arg2[%dma_wait3A_64, %dma_wait3A_65] : memref<10000x128xf32, #tpu.memory_space<hbm>> -> memref<10000x128xf32, #tpu.memory_space<hbm>>
        tpu.wait_indirect_dma semaphore(%arg11 : memref<!tpu.dma_semaphore, #tpu.memory_space<semaphore_mem>>) src(%dma_wait3A_66 : memref<10000x128xf32, #tpu.memory_space<hbm>>) dst(%arg9 : memref<128x128xf32, #tpu.memory_space<vmem>>)
        "tpu.region"() ({
          %run_scoped3A_93 = tpu.sem_alloc : memref<!tpu.dma_semaphore, #tpu.memory_space<semaphore_mem>>
          %dma_start3A_94 = arith.constant 0 : i32
          %dma_start3A_95 = tpu.memref_slice %arg8[%mul3A_60, %dma_start3A_94] : memref<16x128xi32, #tpu.memory_space<vmem>> -> memref<1x128xi32, #tpu.memory_space<vmem>>
          %dma_start3A_96 = tpu.memref_squeeze %dma_start3A_95 : memref<1x128xi32, #tpu.memory_space<vmem>> -> memref<128xi32, #tpu.memory_space<vmem>>
          %dma_start3A_97 = arith.constant 0 : i32
          %dma_start3A_98 = arith.constant 0 : i32
          %dma_start3A_99 = tpu.memref_slice %arg13[%dma_start3A_97, %dma_start3A_98] : memref<10240x128xf32, #tpu.memory_space<vmem_shared>> -> memref<10240x128xf32, #tpu.memory_space<vmem_shared>>
          tpu.enqueue_indirect_dma source(%arg9 : memref<128x128xf32, #tpu.memory_space<vmem>>) target(%dma_start3A_99 : memref<10240x128xf32, #tpu.memory_space<vmem_shared>>) offsets(%dma_start3A_96 : memref<128xi32, #tpu.memory_space<vmem>>) semaphore(%run_scoped3A_93 : memref<!tpu.dma_semaphore, #tpu.memory_space<semaphore_mem>>) {add = true}
          %dma_wait3A_100 = arith.constant 0 : i32
          %dma_wait3A_101 = tpu.memref_slice %arg8[%mul3A_60, %dma_wait3A_100] : memref<16x128xi32, #tpu.memory_space<vmem>> -> memref<1x128xi32, #tpu.memory_space<vmem>>
          %dma_wait3A_102 = tpu.memref_squeeze %dma_wait3A_101 : memref<1x128xi32, #tpu.memory_space<vmem>> -> memref<128xi32, #tpu.memory_space<vmem>>
          %dma_wait3A_103 = arith.constant 0 : i32
          %dma_wait3A_104 = arith.constant 0 : i32
          %dma_wait3A_105 = tpu.memref_slice %arg13[%dma_wait3A_103, %dma_wait3A_104] : memref<10240x128xf32, #tpu.memory_space<vmem_shared>> -> memref<10240x128xf32, #tpu.memory_space<vmem_shared>>
          tpu.wait_indirect_dma semaphore(%run_scoped3A_93 : memref<!tpu.dma_semaphore, #tpu.memory_space<semaphore_mem>>) src(%arg9 : memref<128x128xf32, #tpu.memory_space<vmem>>) dst(%dma_wait3A_105 : memref<10240x128xf32, #tpu.memory_space<vmem_shared>>)
          tpu.yield
        }) : () -> ()
        %add3A_67 = arith.constant 2 : i32
        %add3A_68 = arith.addi %mul3A_60, %add3A_67 : i32
        %dma_start3A_69 = arith.constant 0 : i32
        %dma_start3A_70 = tpu.memref_slice %arg7[%add3A_68, %dma_start3A_69] : memref<16x128xi32, #tpu.memory_space<vmem>> -> memref<1x128xi32, #tpu.memory_space<vmem>>
        %dma_start3A_71 = tpu.memref_squeeze %dma_start3A_70 : memref<1x128xi32, #tpu.memory_space<vmem>> -> memref<128xi32, #tpu.memory_space<vmem>>
        %dma_start3A_72 = arith.constant 0 : i32
        %dma_start3A_73 = arith.constant 0 : i32
        %dma_start3A_74 = tpu.memref_slice %arg2[%dma_start3A_72, %dma_start3A_73] : memref<10000x128xf32, #tpu.memory_space<hbm>> -> memref<10000x128xf32, #tpu.memory_space<hbm>>
        tpu.enqueue_indirect_dma source(%dma_start3A_74 : memref<10000x128xf32, #tpu.memory_space<hbm>>) target(%arg9 : memref<128x128xf32, #tpu.memory_space<vmem>>) offsets(%dma_start3A_71 : memref<128xi32, #tpu.memory_space<vmem>>) semaphore(%arg11 : memref<!tpu.dma_semaphore, #tpu.memory_space<semaphore_mem>>)
        %add3A_75 = arith.constant 1 : i32
        %add3A_76 = arith.addi %mul3A_60, %add3A_75 : i32
        %dma_wait3A_77 = arith.constant 0 : i32
        %dma_wait3A_78 = tpu.memref_slice %arg7[%add3A_76, %dma_wait3A_77] : memref<16x128xi32, #tpu.memory_space<vmem>> -> memref<1x128xi32, #tpu.memory_space<vmem>>
        %dma_wait3A_79 = tpu.memref_squeeze %dma_wait3A_78 : memref<1x128xi32, #tpu.memory_space<vmem>> -> memref<128xi32, #tpu.memory_space<vmem>>
        %dma_wait3A_80 = arith.constant 0 : i32
        %dma_wait3A_81 = arith.constant 0 : i32
        %dma_wait3A_82 = tpu.memref_slice %arg2[%dma_wait3A_80, %dma_wait3A_81] : memref<10000x128xf32, #tpu.memory_space<hbm>> -> memref<10000x128xf32, #tpu.memory_space<hbm>>
        tpu.wait_indirect_dma semaphore(%arg12 : memref<!tpu.dma_semaphore, #tpu.memory_space<semaphore_mem>>) src(%dma_wait3A_82 : memref<10000x128xf32, #tpu.memory_space<hbm>>) dst(%arg10 : memref<128x128xf32, #tpu.memory_space<vmem>>)
        %add3A_83 = arith.constant 1 : i32
        %add3A_84 = arith.addi %mul3A_60, %add3A_83 : i32
        "tpu.region"() ({
          %run_scoped3A_93 = tpu.sem_alloc : memref<!tpu.dma_semaphore, #tpu.memory_space<semaphore_mem>>
          %dma_start3A_94 = arith.constant 0 : i32
          %dma_start3A_95 = tpu.memref_slice %arg8[%add3A_84, %dma_start3A_94] : memref<16x128xi32, #tpu.memory_space<vmem>> -> memref<1x128xi32, #tpu.memory_space<vmem>>
          %dma_start3A_96 = tpu.memref_squeeze %dma_start3A_95 : memref<1x128xi32, #tpu.memory_space<vmem>> -> memref<128xi32, #tpu.memory_space<vmem>>
          %dma_start3A_97 = arith.constant 0 : i32
          %dma_start3A_98 = arith.constant 0 : i32
          %dma_start3A_99 = tpu.memref_slice %arg13[%dma_start3A_97, %dma_start3A_98] : memref<10240x128xf32, #tpu.memory_space<vmem_shared>> -> memref<10240x128xf32, #tpu.memory_space<vmem_shared>>
          tpu.enqueue_indirect_dma source(%arg10 : memref<128x128xf32, #tpu.memory_space<vmem>>) target(%dma_start3A_99 : memref<10240x128xf32, #tpu.memory_space<vmem_shared>>) offsets(%dma_start3A_96 : memref<128xi32, #tpu.memory_space<vmem>>) semaphore(%run_scoped3A_93 : memref<!tpu.dma_semaphore, #tpu.memory_space<semaphore_mem>>) {add = true}
          %dma_wait3A_100 = arith.constant 0 : i32
          %dma_wait3A_101 = tpu.memref_slice %arg8[%add3A_84, %dma_wait3A_100] : memref<16x128xi32, #tpu.memory_space<vmem>> -> memref<1x128xi32, #tpu.memory_space<vmem>>
          %dma_wait3A_102 = tpu.memref_squeeze %dma_wait3A_101 : memref<1x128xi32, #tpu.memory_space<vmem>> -> memref<128xi32, #tpu.memory_space<vmem>>
          %dma_wait3A_103 = arith.constant 0 : i32
          %dma_wait3A_104 = arith.constant 0 : i32
          %dma_wait3A_105 = tpu.memref_slice %arg13[%dma_wait3A_103, %dma_wait3A_104] : memref<10240x128xf32, #tpu.memory_space<vmem_shared>> -> memref<10240x128xf32, #tpu.memory_space<vmem_shared>>
          tpu.wait_indirect_dma semaphore(%run_scoped3A_93 : memref<!tpu.dma_semaphore, #tpu.memory_space<semaphore_mem>>) src(%arg10 : memref<128x128xf32, #tpu.memory_space<vmem>>) dst(%dma_wait3A_105 : memref<10240x128xf32, #tpu.memory_space<vmem_shared>>)
          tpu.yield
        }) : () -> ()
        %add3A_85 = arith.constant 3 : i32
        %add3A_86 = arith.addi %mul3A_60, %add3A_85 : i32
        %dma_start3A_87 = arith.constant 0 : i32
        %dma_start3A_88 = tpu.memref_slice %arg7[%add3A_86, %dma_start3A_87] : memref<16x128xi32, #tpu.memory_space<vmem>> -> memref<1x128xi32, #tpu.memory_space<vmem>>
        %dma_start3A_89 = tpu.memref_squeeze %dma_start3A_88 : memref<1x128xi32, #tpu.memory_space<vmem>> -> memref<128xi32, #tpu.memory_space<vmem>>
        %dma_start3A_90 = arith.constant 0 : i32
        %dma_start3A_91 = arith.constant 0 : i32
        %dma_start3A_92 = tpu.memref_slice %arg2[%dma_start3A_90, %dma_start3A_91] : memref<10000x128xf32, #tpu.memory_space<hbm>> -> memref<10000x128xf32, #tpu.memory_space<hbm>>
        tpu.enqueue_indirect_dma source(%dma_start3A_92 : memref<10000x128xf32, #tpu.memory_space<hbm>>) target(%arg10 : memref<128x128xf32, #tpu.memory_space<vmem>>) offsets(%dma_start3A_89 : memref<128xi32, #tpu.memory_space<vmem>>) semaphore(%arg12 : memref<!tpu.dma_semaphore, #tpu.memory_space<semaphore_mem>>)
      }
      %scan3A_43 = arith.constant 7 : i32
      %dma_wait3A = arith.constant 14 : i32
      %dma_wait3A_44 = arith.constant 0 : i32
      %dma_wait3A_45 = tpu.memref_slice %arg7[%dma_wait3A, %dma_wait3A_44] : memref<16x128xi32, #tpu.memory_space<vmem>> -> memref<1x128xi32, #tpu.memory_space<vmem>>
      %dma_wait3A_46 = tpu.memref_squeeze %dma_wait3A_45 : memref<1x128xi32, #tpu.memory_space<vmem>> -> memref<128xi32, #tpu.memory_space<vmem>>
      %dma_wait3A_47 = arith.constant 0 : i32
      %dma_wait3A_48 = arith.constant 0 : i32
      %dma_wait3A_49 = tpu.memref_slice %arg2[%dma_wait3A_47, %dma_wait3A_48] : memref<10000x128xf32, #tpu.memory_space<hbm>> -> memref<10000x128xf32, #tpu.memory_space<hbm>>
      tpu.wait_indirect_dma semaphore(%arg11 : memref<!tpu.dma_semaphore, #tpu.memory_space<semaphore_mem>>) src(%dma_wait3A_49 : memref<10000x128xf32, #tpu.memory_space<hbm>>) dst(%arg9 : memref<128x128xf32, #tpu.memory_space<vmem>>)
      %run_scoped3A = arith.constant 14 : i32
      "tpu.region"() ({
        %run_scoped3A_58 = tpu.sem_alloc : memref<!tpu.dma_semaphore, #tpu.memory_space<semaphore_mem>>
        %dma_start3A_59 = arith.constant 0 : i32
        %dma_start3A_60 = tpu.memref_slice %arg8[%run_scoped3A, %dma_start3A_59] : memref<16x128xi32, #tpu.memory_space<vmem>> -> memref<1x128xi32, #tpu.memory_space<vmem>>
        %dma_start3A_61 = tpu.memref_squeeze %dma_start3A_60 : memref<1x128xi32, #tpu.memory_space<vmem>> -> memref<128xi32, #tpu.memory_space<vmem>>
        %dma_start3A_62 = arith.constant 0 : i32
        %dma_start3A_63 = arith.constant 0 : i32
        %dma_start3A_64 = tpu.memref_slice %arg13[%dma_start3A_62, %dma_start3A_63] : memref<10240x128xf32, #tpu.memory_space<vmem_shared>> -> memref<10240x128xf32, #tpu.memory_space<vmem_shared>>
        tpu.enqueue_indirect_dma source(%arg9 : memref<128x128xf32, #tpu.memory_space<vmem>>) target(%dma_start3A_64 : memref<10240x128xf32, #tpu.memory_space<vmem_shared>>) offsets(%dma_start3A_61 : memref<128xi32, #tpu.memory_space<vmem>>) semaphore(%run_scoped3A_58 : memref<!tpu.dma_semaphore, #tpu.memory_space<semaphore_mem>>) {add = true}
        %dma_wait3A_65 = arith.constant 0 : i32
        %dma_wait3A_66 = tpu.memref_slice %arg8[%run_scoped3A, %dma_wait3A_65] : memref<16x128xi32, #tpu.memory_space<vmem>> -> memref<1x128xi32, #tpu.memory_space<vmem>>
        %dma_wait3A_67 = tpu.memref_squeeze %dma_wait3A_66 : memref<1x128xi32, #tpu.memory_space<vmem>> -> memref<128xi32, #tpu.memory_space<vmem>>
        %dma_wait3A_68 = arith.constant 0 : i32
        %dma_wait3A_69 = arith.constant 0 : i32
        %dma_wait3A_70 = tpu.memref_slice %arg13[%dma_wait3A_68, %dma_wait3A_69] : memref<10240x128xf32, #tpu.memory_space<vmem_shared>> -> memref<10240x128xf32, #tpu.memory_space<vmem_shared>>
        tpu.wait_indirect_dma semaphore(%run_scoped3A_58 : memref<!tpu.dma_semaphore, #tpu.memory_space<semaphore_mem>>) src(%arg9 : memref<128x128xf32, #tpu.memory_space<vmem>>) dst(%dma_wait3A_70 : memref<10240x128xf32, #tpu.memory_space<vmem_shared>>)
        tpu.yield
      }) : () -> ()
      %dma_wait3A_50 = arith.constant 15 : i32
      %dma_wait3A_51 = arith.constant 0 : i32
      %dma_wait3A_52 = tpu.memref_slice %arg7[%dma_wait3A_50, %dma_wait3A_51] : memref<16x128xi32, #tpu.memory_space<vmem>> -> memref<1x128xi32, #tpu.memory_space<vmem>>
      %dma_wait3A_53 = tpu.memref_squeeze %dma_wait3A_52 : memref<1x128xi32, #tpu.memory_space<vmem>> -> memref<128xi32, #tpu.memory_space<vmem>>
      %dma_wait3A_54 = arith.constant 0 : i32
      %dma_wait3A_55 = arith.constant 0 : i32
      %dma_wait3A_56 = tpu.memref_slice %arg2[%dma_wait3A_54, %dma_wait3A_55] : memref<10000x128xf32, #tpu.memory_space<hbm>> -> memref<10000x128xf32, #tpu.memory_space<hbm>>
      tpu.wait_indirect_dma semaphore(%arg12 : memref<!tpu.dma_semaphore, #tpu.memory_space<semaphore_mem>>) src(%dma_wait3A_56 : memref<10000x128xf32, #tpu.memory_space<hbm>>) dst(%arg10 : memref<128x128xf32, #tpu.memory_space<vmem>>)
      %run_scoped3A_57 = arith.constant 15 : i32
      "tpu.region"() ({
        %run_scoped3A_58 = tpu.sem_alloc : memref<!tpu.dma_semaphore, #tpu.memory_space<semaphore_mem>>
        %dma_start3A_59 = arith.constant 0 : i32
        %dma_start3A_60 = tpu.memref_slice %arg8[%run_scoped3A_57, %dma_start3A_59] : memref<16x128xi32, #tpu.memory_space<vmem>> -> memref<1x128xi32, #tpu.memory_space<vmem>>
        %dma_start3A_61 = tpu.memref_squeeze %dma_start3A_60 : memref<1x128xi32, #tpu.memory_space<vmem>> -> memref<128xi32, #tpu.memory_space<vmem>>
        %dma_start3A_62 = arith.constant 0 : i32
        %dma_start3A_63 = arith.constant 0 : i32
        %dma_start3A_64 = tpu.memref_slice %arg13[%dma_start3A_62, %dma_start3A_63] : memref<10240x128xf32, #tpu.memory_space<vmem_shared>> -> memref<10240x128xf32, #tpu.memory_space<vmem_shared>>
        tpu.enqueue_indirect_dma source(%arg10 : memref<128x128xf32, #tpu.memory_space<vmem>>) target(%dma_start3A_64 : memref<10240x128xf32, #tpu.memory_space<vmem_shared>>) offsets(%dma_start3A_61 : memref<128xi32, #tpu.memory_space<vmem>>) semaphore(%run_scoped3A_58 : memref<!tpu.dma_semaphore, #tpu.memory_space<semaphore_mem>>) {add = true}
        %dma_wait3A_65 = arith.constant 0 : i32
        %dma_wait3A_66 = tpu.memref_slice %arg8[%run_scoped3A_57, %dma_wait3A_65] : memref<16x128xi32, #tpu.memory_space<vmem>> -> memref<1x128xi32, #tpu.memory_space<vmem>>
        %dma_wait3A_67 = tpu.memref_squeeze %dma_wait3A_66 : memref<1x128xi32, #tpu.memory_space<vmem>> -> memref<128xi32, #tpu.memory_space<vmem>>
        %dma_wait3A_68 = arith.constant 0 : i32
        %dma_wait3A_69 = arith.constant 0 : i32
        %dma_wait3A_70 = tpu.memref_slice %arg13[%dma_wait3A_68, %dma_wait3A_69] : memref<10240x128xf32, #tpu.memory_space<vmem_shared>> -> memref<10240x128xf32, #tpu.memory_space<vmem_shared>>
        tpu.wait_indirect_dma semaphore(%run_scoped3A_58 : memref<!tpu.dma_semaphore, #tpu.memory_space<semaphore_mem>>) src(%arg10 : memref<128x128xf32, #tpu.memory_space<vmem>>) dst(%dma_wait3A_70 : memref<10240x128xf32, #tpu.memory_space<vmem_shared>>)
        tpu.yield
      }) : () -> ()
    }
    %barrier3A_18 = arith.constant 0 : index
    tpu.barrier barrier_id(%barrier3A_18)
    %mul3A_19 = arith.constant 640 : i32
    %mul3A_20 = arith.muli %arg1, %mul3A_19 : i32
    %mul3A_21 = arith.constant 640 : i32
    %mul3A_22 = arith.muli %arg1, %mul3A_21 : i32
    "tpu.region"() ({
      %run_scoped3A = tpu.sem_alloc : memref<!tpu.dma_semaphore, #tpu.memory_space<semaphore_mem>>
      %dma_start3A = arith.constant 0 : i32
      %dma_start3A_23 = tpu.memref_slice %arg6[%arg0, %mul3A_22, %dma_start3A] : memref<2x10240x128xf32, #tpu.memory_space<hbm>> -> memref<1x640x128xf32, #tpu.memory_space<hbm>>
      %dma_start3A_24 = tpu.memref_squeeze %dma_start3A_23 : memref<1x640x128xf32, #tpu.memory_space<hbm>> -> memref<640x128xf32, #tpu.memory_space<hbm>>
      %dma_start3A_25 = arith.constant 0 : i32
      %dma_start3A_26 = tpu.memref_slice %arg13[%mul3A_20, %dma_start3A_25] : memref<10240x128xf32, #tpu.memory_space<vmem_shared>> -> memref<640x128xf32, #tpu.memory_space<vmem_shared>>
      tpu.enqueue_dma source(%dma_start3A_26 : memref<640x128xf32, #tpu.memory_space<vmem_shared>>) target(%dma_start3A_24 : memref<640x128xf32, #tpu.memory_space<hbm>>) target_semaphore(%run_scoped3A : memref<!tpu.dma_semaphore, #tpu.memory_space<semaphore_mem>>)
      %dma_wait3A = arith.constant 0 : i32
      %dma_wait3A_27 = tpu.memref_slice %arg6[%arg0, %mul3A_22, %dma_wait3A] : memref<2x10240x128xf32, #tpu.memory_space<hbm>> -> memref<1x640x128xf32, #tpu.memory_space<hbm>>
      %dma_wait3A_28 = tpu.memref_squeeze %dma_wait3A_27 : memref<1x640x128xf32, #tpu.memory_space<hbm>> -> memref<640x128xf32, #tpu.memory_space<hbm>>
      %dma_wait3A_29 = arith.constant 0 : i32
      %dma_wait3A_30 = tpu.memref_slice %arg13[%mul3A_20, %dma_wait3A_29] : memref<10240x128xf32, #tpu.memory_space<vmem_shared>> -> memref<640x128xf32, #tpu.memory_space<vmem_shared>>
      tpu.wait_dma2 semaphore(%run_scoped3A : memref<!tpu.dma_semaphore, #tpu.memory_space<semaphore_mem>>) src(%dma_wait3A_30 : memref<640x128xf32, #tpu.memory_space<vmem_shared>>) dst(%dma_wait3A_28 : memref<640x128xf32, #tpu.memory_space<hbm>>)
      tpu.yield
    }) : () -> ()
    return
  }
}

module attributes {stable_mosaic.version = 14 : i64} {
  func.func @_tc_body(%arg0: i32, %arg1: memref<2x1000x128xf32, #tpu.memory_space<vmem>>, %arg2: memref<1000x128xf32, #tpu.memory_space<vmem>>, %arg3: memref<128x128xf32, #tpu.memory_space<vmem>>, %arg4: memref<1x128xf32, #tpu.memory_space<vmem>>, %arg5: memref<1000x128xf32, #tpu.memory_space<vmem>>, %arg6: memref<1000x128xf32, #tpu.memory_space<vmem>>) attributes {dimension_semantics = [#tpu.dimension_semantics<arbitrary>], iteration_bounds = array<i64: 10>, scalar_prefetch = 0 : i64, scratch_operands = 0 : i64, tpu.core_type = #tpu.core_type<tc>, window_params = [{transform_indices = @transform_0, window_bounds = array<i64: 2, 1000, 128>}, {transform_indices = @transform_1, window_bounds = array<i64: 1000, 128>}, {pipeline_mode = #tpu.pipeline_mode<synchronous>, transform_indices = @transform_2, window_bounds = array<i64: 128, 128>}, {pipeline_mode = #tpu.pipeline_mode<synchronous>, transform_indices = @transform_3, window_bounds = array<i64: 1, 128>}, {transform_indices = @transform_4, window_bounds = array<i64: 1000, 128>}, {transform_indices = @transform_5, window_bounds = array<i64: 1000, 128>}]} {
    %get3A = arith.constant 0 : index
    %get3A_0 = arith.constant 0 : index
    %get3A_1 = arith.constant 0 : index
    %get3A_2 = vector.load %arg1[%get3A, %get3A_0, %get3A_1] : memref<2x1000x128xf32, #tpu.memory_space<vmem>>, vector<1x1000x128xf32>
    %get3A_3 = vector.shape_cast %get3A_2 : vector<1x1000x128xf32> to vector<1000x128xf32>
    %get3A_4 = arith.constant 1 : index
    %get3A_5 = arith.constant 0 : index
    %get3A_6 = arith.constant 0 : index
    %get3A_7 = vector.load %arg1[%get3A_4, %get3A_5, %get3A_6] : memref<2x1000x128xf32, #tpu.memory_space<vmem>>, vector<1x1000x128xf32>
    %get3A_8 = vector.shape_cast %get3A_7 : vector<1x1000x128xf32> to vector<1000x128xf32>
    %add3A = arith.addf %get3A_3, %get3A_8 : vector<1000x128xf32>
    %swap3A = arith.constant 0 : index
    %swap3A_9 = arith.constant 0 : index
    %swap3A_10 = vector.load %arg5[%swap3A, %swap3A_9] : memref<1000x128xf32, #tpu.memory_space<vmem>>, vector<1000x128xf32>
    tpu.vector_store %arg5[%swap3A, %swap3A_9], %add3A {strides = array<i32>} : memref<1000x128xf32, #tpu.memory_space<vmem>>, vector<1000x128xf32>,
    %get3A_11 = arith.constant 0 : index
    %get3A_12 = arith.constant 0 : index
    %get3A_13 = vector.load %arg2[%get3A_11, %get3A_12] : memref<1000x128xf32, #tpu.memory_space<vmem>>, vector<1000x128xf32>
    %get3A_14 = arith.constant 0 : index
    %get3A_15 = arith.constant 0 : index
    %get3A_16 = vector.load %arg3[%get3A_14, %get3A_15] : memref<128x128xf32, #tpu.memory_space<vmem>>, vector<128x128xf32>
    %dot_general3A = arith.constant dense<0.000000e+00> : vector<1000x128xf32>
    %dot_general3A_17 = tpu.matmul %get3A_13, %get3A_16, %dot_general3A {dimension_numbers = #tpu.dot_dimension_numbers<[1], [1], [0], [0], [0, 0, 1, 0], [], []>, transpose_lhs_hint = false} : vector<1000x128xf32>, vector<128x128xf32>, vector<1000x128xf32> -> vector<1000x128xf32>
    %get3A_18 = arith.constant 0 : index
    %get3A_19 = arith.constant 0 : index
    %get3A_20 = vector.load %arg4[%get3A_18, %get3A_19] : memref<1x128xf32, #tpu.memory_space<vmem>>, vector<1x128xf32>
    %add3A_21 = vector.broadcast %get3A_20 : vector<1x128xf32> to vector<1000x128xf32>
    %add3A_22 = arith.addf %dot_general3A_17, %add3A_21 : vector<1000x128xf32>
    %swap3A_23 = arith.constant 0 : index
    %swap3A_24 = arith.constant 0 : index
    %swap3A_25 = vector.load %arg6[%swap3A_23, %swap3A_24] : memref<1000x128xf32, #tpu.memory_space<vmem>>, vector<1000x128xf32>
    tpu.vector_store %arg6[%swap3A_23, %swap3A_24], %add3A_22 {strides = array<i32>} : memref<1000x128xf32, #tpu.memory_space<vmem>>, vector<1000x128xf32>,
    return
  }
  func.func @transform_0(%arg0: i32) -> (i32, i32, i32) {
    %c0_i32 = arith.constant 0 : i32
    %c0_i32_0 = arith.constant 0 : i32
    %c0_i32_1 = arith.constant 0 : i32
    return %c0_i32, %arg0, %c0_i32_0 : i32, i32, i32
  }
  func.func @transform_1(%arg0: i32) -> (i32, i32) {
    %c0_i32 = arith.constant 0 : i32
    %c0_i32_0 = arith.constant 0 : i32
    return %arg0, %c0_i32 : i32, i32
  }
  func.func @transform_2(%arg0: i32) -> (i32, i32) {
    %c0_i32 = arith.constant 0 : i32
    %c0_i32_0 = arith.constant 0 : i32
    %c0_i32_1 = arith.constant 0 : i32
    return %c0_i32, %c0_i32_0 : i32, i32
  }
  func.func @transform_3(%arg0: i32) -> (i32, i32) {
    %c0_i32 = arith.constant 0 : i32
    %c0_i32_0 = arith.constant 0 : i32
    %c0_i32_1 = arith.constant 0 : i32
    return %c0_i32, %c0_i32_0 : i32, i32
  }
  func.func @transform_4(%arg0: i32) -> (i32, i32) {
    %c0_i32 = arith.constant 0 : i32
    %c0_i32_0 = arith.constant 0 : i32
    return %arg0, %c0_i32 : i32, i32
  }
  func.func @transform_5(%arg0: i32) -> (i32, i32) {
    %c0_i32 = arith.constant 0 : i32
    %c0_i32_0 = arith.constant 0 : i32
    return %arg0, %c0_i32 : i32, i32
  }
}

</mosaic_0001>

<sc_bundles>
// kernel: kernel.4.cloned.1.call-start
scs
__scs_entry_jumppad:
0x0: {  	(pc) =	sbr.rel $0x88, $3  }
0x1: {  	(tag) =	ssettag $0x0;
	lr =	simm.s32 $0x1  }
0x2: {  	[smem:$0x3F9D] =	sst lr;
	_ =	strace $0xD0000000  }
0x3: {  	_ = 	snop  }
0x4: {  	_ = 	snop  }
0x5: {  	_ = 	snop  }
0x6: {  	_ = 	snop  }
0x7: {  	_ = 	snop  }
__scs_overlays_trampoline_lowered:
0x8: {  	[smem:$0x3FAC] =	sst s0  }
0x9: {  	[smem:$0x3FAD] =	sst s1  }
0xa: {  	[smem:$0x3FAE] =	sst s2  }
0xb: {  	[smem:$0x3FAF] =	sst s3  }
0xc: {  	[smem:$0x3FB0] =	sst s4  }
0xd: {  	[smem:$0x3FB1] =	sst s5  }
0xe: {  	[smem:$0x3FB2] =	sst s6  }
0xf: {  	[smem:$0x3FB3] =	sst s7  }
0x10: {  	[smem:$0x3FB4] =	sst s8  }
0x11: {  	[smem:$0x3FB5] =	sst s9;
	s0 =	simm.s32 @!p0 $0x0  }
0x12: {  	s1 =	sld [smem:$0x3F9B];
	s0 =	simm.s32 @p0 $0x1  }
0x13: {  	[smem:$0x3FB6] =	sst s0;
	s0 =	simm.s32 @!p1 $0x0  }
0x14: {  	s2 =	sld [smem:$0x3F9A];
	s0 =	simm.s32 @p1 $0x1  }
0x15: {  	[smem:$0x3FB7] =	sst s0;
	s0 =	simm.s32 @!p2 $0x0  }
0x16: {  	s3 =	sld [smem:$0x3FDB];
	s0 =	simm.s32 @p2 $0x1  }
0x17: {  	s4 =	simm.s32 $0x1BF5;
	[smem:$0x3FB9] =	sst s0  }
0x18: {  	s0 =	sld [smem:$0x3F9C];
	_ =	swait.ge [sflag:s4], $0x0  }
0x19: {  	s7 =	sld [smem:$0x3F9D]  }
0x1a: {  	s8 =	sadd.s32 $0xFFFFE003, lr  }
0x1b: {  	s9 =	sadd.s32 $0xFFFFFEF7, lr;
	s5 =	simm.s32 $0xFFFFFFFF;
	p2 =	slt.u32 s8, $0xFFFFF086  }
0x1c: {  	p1 =	slt.u32 s9, $0xF7A;
	s5 =	simm.s32 @!p2 $0x0  }
0x1d: {  	s5 =	simm.s32 @p1 $0x1;
	p0 =	seq.s32 s7, s2  }
0x1e: {  	s7 =	smul.u32 @!p0 $0xF7A, s2;
	p2 =	seq.s32 @!p0 s5, $0x0  }
0x1f: {  	s9 =	smul.u32 $0xF7A, s1;
	s8 =	simm.s32 @!p0 $0x1BF5;
	p2 =	por !p2, p0  }
0x20: {  	[sflag:s8] =	ssyncset.s32 @!p0 $0xFFFFF086;
	s6 =	sadd.s32 @!p0 s3, s7;
	s7 =	simm.s32 @!p0 $0x108  }
0x21: {  	s3 =	sadd.s32 s3, s9;
	s6 =	sadd.s32 @!p0 $0x88, s6;
	s7 =	simm.s32 @p2 $0x1082  }
0x22: {  	[simem:s7], [sflag:s8] =	dma.local @!p0 [hbm:s6], $0xF7A  }
0x23: {  	s9 =	sor.u32 $0xD0000000, s2;
	s6 =	simm.s32 $0x108;
	_ =	swait.ge @!p0 [sflag:s8], $0x0  }
0x24: {  	s3 =	sadd.s32 $0x88, s3;
	s6 =	simm.s32 @!p1 $0x1082;
	[sflag:s4] =	ssyncset.s32 $0xFFFFF086  }
0x25: {  	[simem:s6], [sflag:s4] =	dma.local [hbm:s3], $0xF7A  }
0x26: {  	[smem:$0x3F9D] =	sst s1;
	(tag) =	ssettag s2;
	_ =	strace s9  }
0x27: {  	s1 =	sld [smem:$0x3FAD]  }
0x28: {  	s2 =	sld [smem:$0x3FAE]  }
0x29: {  	s4 =	sld [smem:$0x3FB0]  }
0x2a: {  	p0 =	seq.s32 s5, $0x0;
	s5 =	sld [smem:$0x3FB1]  }
0x2b: {  	s6 =	sld [smem:$0x3FB2]  }
0x2c: {  	s7 =	sld [smem:$0x3FB3]  }
0x2d: {  	s3 =	simm.s32 $0x108;
	s8 =	sld [smem:$0x3FB4]  }
0x2e: {  	s3 =	simm.s32 @!p0 $0x1082;
	s9 =	sld [smem:$0x3FB5]  }
0x2f: {  	lr =	sadd.s32 s0, s3;
	s0 =	sld [smem:$0x3FAC]  }
0x30: {  	s3 =	sld [smem:$0x3FAF]  }
0x31: {  	[smem:$0x3FB8] =	sst s10  }
0x32: {  	s10 =	sld [smem:$0x3FB6];
	_ =	sdelay $0x3  }
0x33: {  	p0 =	seq.s32 s10, $0x1;
	s10 =	sld [smem:$0x3FB8];
	_ =	sdelay $0x3  }
0x34: {  	[smem:$0x3FB8] =	sst s10  }
0x35: {  	s10 =	sld [smem:$0x3FB7];
	_ =	sdelay $0x3  }
0x36: {  	p1 =	seq.s32 s10, $0x1;
	s10 =	sld [smem:$0x3FB8];
	_ =	sdelay $0x3  }
0x37: {  	[smem:$0x3FB8] =	sst s10  }
0x38: {  	s10 =	sld [smem:$0x3FB9]  }
0x39: {  	_ = 	snop;
	(pc) =	sbr.ind lr, $3  }
0x3a: {  	_ = 	snop  }
0x3b: {  	_ = 	snop  }
0x3c: {  	p2 =	seq.s32 s10, $0x1;
	s10 =	sld [smem:$0x3FB8]  }
0x3d: {  	_ =	shalt  }
0x3e: {  	_ =	shalt  }
0x3f: {  	_ =	shalt  }
0x40: {  	_ =	shalt  }
0x41: {  	_ =	shalt  }
0x42: {  	_ =	shalt  }
0x43: {  	_ =	shalt  }
0x44: {  	_ =	shalt  }
0x45: {  	_ =	shalt  }
0x46: {  	_ =	shalt  }
0x47: {  	_ =	shalt  }
0x48: {  	_ =	shalt  }
0x49: {  	_ =	shalt  }
0x4a: {  	_ =	shalt  }
0x4b: {  	_ =	shalt  }
0x4c: {  	_ =	shalt  }
0x4d: {  	_ =	shalt  }
0x4e: {  	_ =	shalt  }
0x4f: {  	_ =	shalt  }
0x50: {  	_ =	shalt  }
0x51: {  	_ =	shalt  }
0x52: {  	_ =	shalt  }
0x53: {  	_ =	shalt  }
0x54: {  	_ =	shalt  }
0x55: {  	_ =	shalt  }
0x56: {  	_ =	shalt  }
0x57: {  	_ =	shalt  }
0x58: {  	_ =	shalt  }
0x59: {  	_ =	shalt  }
0x5a: {  	_ =	shalt  }
0x5b: {  	_ =	shalt  }
0x5c: {  	_ =	shalt  }
0x5d: {  	_ =	shalt  }
0x5e: {  	_ =	shalt  }
0x5f: {  	_ =	shalt  }
0x60: {  	_ =	shalt  }
0x61: {  	_ =	shalt  }
0x62: {  	_ =	shalt  }
0x63: {  	_ =	shalt  }
0x64: {  	_ =	shalt  }
0x65: {  	_ =	shalt  }
0x66: {  	_ =	shalt  }
0x67: {  	_ =	shalt  }
0x68: {  	_ =	shalt  }
0x69: {  	_ =	shalt  }
0x6a: {  	_ =	shalt  }
0x6b: {  	_ =	shalt  }
0x6c: {  	_ =	shalt  }
0x6d: {  	_ =	shalt  }
0x6e: {  	_ =	shalt  }
0x6f: {  	_ =	shalt  }
0x70: {  	_ =	shalt  }
0x71: {  	_ =	shalt  }
0x72: {  	_ =	shalt  }
0x73: {  	_ =	shalt  }
0x74: {  	_ =	shalt  }
0x75: {  	_ =	shalt  }
0x76: {  	_ =	shalt  }
0x77: {  	_ =	shalt  }
0x78: {  	_ =	shalt  }
0x79: {  	_ =	shalt  }
0x7a: {  	_ =	shalt  }
0x7b: {  	_ =	shalt  }
0x7c: {  	_ =	shalt  }
0x7d: {  	_ =	shalt  }
0x7e: {  	_ =	shalt  }
0x7f: {  	_ =	shalt  }
0x80: {  	_ =	shalt  }
0x81: {  	_ =	shalt  }
0x82: {  	_ =	shalt  }
0x83: {  	_ =	shalt  }
0x84: {  	_ =	shalt  }
0x85: {  	_ =	shalt  }
0x86: {  	_ =	shalt  }
0x87: {  	_ =	shalt  }
.Lfunc_end0:
.L_simem_size_0:
called_computation_lowered:
.L_overlay_start_0:
0x88: {  	s2 =	sld [smem:$0x3FD9]  }
0x89: {  	s3 =	sld [smem:$0x3FFE];
	_ =	sdelay $0x1  }
0x8a: {  	s1 =	srdreg.scid  }
0x8b: {  	s0 =	sand.u32 $0x1, s1  }
0x8c: {  	s14 =	sshll.u32 s0, $0xA;
	s2 =	sadd.s32 s3, s2  }
0x8d: {  	s2 =	sadd.s32 s2, s14  }
0x8e: {  	[smem:$0x3FC4] =	sst s2  }
0x8f: {  	_ = 	snop  }
0x90: {  	s2 =	sld [smem:$0x3FD0];
	_ =	sdelay $0x2  }
0x91: {  	s4 =	simm.s32 $0xA;
	s5 =	simm.s32 $0x10;
	s15 =	sld [smem:$0x3FC9]  }
0x92: {  	[smem:s5], [sflag:s4] =	dma.local [hbm:s2], $0x1  }
0x93: {  	_ =	swait.eq [sflag:s4], $0x1  }
0x94: {  	[sflag:s4] =	ssyncset.done $0x0  }
0x95: {  	s16 =	sld [smem:$0x10];
	[sflag:s4] =	ssyncadd.s32 $0xFFFFFFFF  }
0x96: {  	s17 =	sld [smem:$0x11];
	(tm) =	ssettm $0x1  }
0x97: {  	s18 =	sld [smem:$0x3FFB];
	_ =	sdelay $0x3  }
0x98: {  	_ =	strace s18  }
0x99: {  	s5 =	sld [smem:$0x3FFC];
	_ =	sdelay $0x3  }
0x9a: {  	_ =	strace s5  }
0x9b: {  	s5 =	sld [smem:$0x3FFD];
	_ =	sdelay $0x3  }
0x9c: {  	_ =	strace s5  }
0x9d: {  	_ =	strace $0x8FFFFFFF  }
0x9e: {  	s19 =	sld [smem:$0x3FDB];
	_ =	sdelay $0x1  }
0x9f: {  	s6 =	simm.s32 $_scs_section_size  }
0xa0: {  	s7 =	simm.s32 $_size__tile_overlayer_lowered;
	s8 =	simm.s32 $_tile_overlayer_lowered  }
0xa1: {  	s22 =	simm.s32 $0x1BFF;
	s21 =	sshll.u32 s8, $0x1;
	s5 =	sadd.s32 s6, s19  }
0xa2: {  	s9 =	simm.s32 $0x0;
	s20 =	sshll.u32 s7, $0x1;
	s7 =	sadd.s32 s21, s5  }
0xa3: {  	[timem:s9], [sflag:s22] =	dma.local [hbm:s7], s20  }
0xa4: {  	_ =	swait.ge [sflag:s22], s20  }
0xa5: {  	s6 =	ssub.s32 $0x0, s20;
	[sflag:s22] =	ssyncset.done $0x0  }
0xa6: {  	[sflag:s22] =	ssyncadd.s32 s6;
	_ =	sdelay $0x1  }
0xa7: {  	s23 =	simm.s32 $0x1B8B  }
0xa8: {  	_ =	swait.ge [sflag:s23], $0x1  }
0xa9: {  	[sflag:s23] =	ssyncset.done $0x0  }
0xaa: {  	s25 =	simm.s32 $0x1B8E;
	s24 =	sld [smem:$0x3FFE];
	[sflag:s23] =	ssyncadd.s32 $0xFFFFFFFF  }
0xab: {  	s26 =	simm.s32 $execute0_lowered;
	[smem:$0x3FD2] =	sst s25  }
0xac: {  	s7 =	sshll.u32 s26, $0x1;
	_ =	strace $0x80000046;
	[dreg:$0x1] =	wrdreg $0xFFFFFFFF  }
0xad: {  	s28 =	simm.s32 $_size_execute0_lowered;
	s5 =	sadd.s32 s5, s7;
	[dreg:$0x0] =	wrdreg $0x0  }
0xae: {  	s7 =	sshll.u32 s28, $0x1;
	[dreg:$0x2] =	wrdreg s5  }
0xaf: {  	[dreg:$0x3] =	wrdreg s7  }
0xb0: {  	[dreg:$0x4] =	wrdreg $0xC0  }
0xb1: {  	_ =	task [dreg:s9], $0x5FFFF  }
0xb2: {  	[dreg:$0x1] =	wrdreg $0xFFFFFFFF  }
0xb3: {  	[dreg:$0x0] =	wrdreg $0x60  }
0xb4: {  	[dreg:$0x2] =	wrdreg s15  }
0xb5: {  	[dreg:$0x3] =	wrdreg s17  }
0xb6: {  	[dreg:$0x4] =	wrdreg s16  }
0xb7: {  	[dreg:$0x5] =	wrdreg s24  }
0xb8: {  	[dreg:$0x6] =	wrdreg $0x90000  }
0xb9: {  	[dreg:$0x7] =	wrdreg $0x9  }
0xba: {  	_ =	task.clear_ibuf [dreg:s9], $0x8FFFF;
	_ =	strace $0x90000046  }
0xbb: {  	s29 =	simm.s32 $0x9;
	_ =	strace $0x80000048  }
0xbc: {  	_ =	swait.ge [sflag:s29], $0x1  }
0xbd: {  	[sflag:s29] =	ssyncadd.s32 $0xFFFFFFFF  }
0xbe: {  	_ =	strace $0x90000048  }
0xbf: {  	_ =	sfence  }
0xc0: {  	s30 =	sld [smem:$0x0];
	_ =	sdelay $0x2  }
0xc1: {  	s31 =	sshll.u32 s1, $0xD;
	s1 =	sshrl.u32 s1, $0x2  }
0xc2: {  	s3 =	sand.u32 $0x4000, s31;
	s1 =	sadd.s32 s1, s30  }
0xc3: {  	s0 =	sor.u32 s3, s0;
	s1 =	sshll.u32 s1, $0x11  }
0xc4: {  	s0 =	sor.u32 s1, s0  }
0xc5: {  	s0 =	sadd.s32 $0x8F2B, s0  }
0xc6: {  	[sflag:s0] =	ssyncadd.remote.s32 $0x1  }
0xc7: {  	_ =	sfence.sel $0xFFFF  }
0xc8: {  	[dreg:$0x0] =	wrdreg $0xFFFFFFFF;
	(pc) =	sbr.abs _section_cstart, $3  }
0xc9: {  	[dreg:$0x1] =	wrdreg $0xFFFFFFFF  }
0xca: {  	_ =	task.clear_ibuf [dreg:s9], $0x2FFFF;
	_ =	strace $0x9FFFFFFF  }
0xcb: {  	(tm) =	ssettm $0x7FFFFFFF  }
tec
execute0_lowered:
.L_overlay_start_1:
0x0: {  	(tag) =	ssettag $0x1  }
0x1: {  	s1 =	rddreg [dreg:$0x0]  }
0x2: {  	s0 =	rddreg [dreg:$0x1]  }
0x3: {  	s3 =	rddreg [dreg:$0x2]  }
0x4: {  	s5 =	rddreg [dreg:$0x3]  }
0x5: {  	s2 =	rddreg [dreg:$0x4];
	s4 =	srdreg.scid  }
0x6: {  	s11 =	stileid.u32;
	s13 =	simm.s32 $0x100;
	s14 =	simm.s32 $0x880  }
0x7: {  	s15 =	simm.s32 $0x180;
	s16 =	simm.s32 $0x900;
	s17 =	simm.s32 $0x200  }
0x8: {  	s18 =	simm.s32 $0x980;
	s19 =	simm.s32 $0x280;
	s20 =	simm.s32 $0xA00  }
0x9: {  	s21 =	simm.s32 $0x300;
	s6 =	sand.u32 $0x1, s4;
	s4 =	simm.s32 $0x0  }
0xa: {  	s28 =	simm.s32 $0xD80;
	s10 =	sadd.s32 $0xA00, s5;
	[smem:$0x7FF] =	sst s4  }
0xb: {  	s29 =	simm.s32 $0x680;
	_ =	strace $0x80000047;
	[dreg:$0x14] =	wrdreg s10  }
0xc: {  	s30 =	simm.s32 $0xE00;
	s8 =	smul.u32 $0x14000, s11;
	[dreg:$0x6] =	wrdreg s13  }
0xd: {  	s31 =	simm.s32 $0x700;
	s9 =	smul.u32 $0x50000, s11;
	[dreg:$0x7] =	wrdreg s14  }
0xe: {  	s26 =	sshll.u32 s11, $0x6;
	s7 =	smul.u32 $0x140000, s6;
	[dreg:$0x8] =	wrdreg s15  }
0xf: {  	s22 =	ssub.s32 $0x2, s6;
	p0 =	seq.s32 s6, $0x0;
	[dreg:$0x9] =	wrdreg s16  }
0x10: {  	s6 =	simm.s32 $0x8;
	s12 =	sor.u32 $0x1C03, s26;
	[dreg:$0xa] =	wrdreg s17  }
0x11: {  	s26 =	simm.s32 $0xB80;
	s23 =	sshrl.u32 s22, $0x1;
	[dreg:$0xb] =	wrdreg s18  }
0x12: {  	s9 =	sshrl.u32 s9, $0x2;
	s6 =	simm.s32 @!p0 $0x2;
	[dreg:$0xc] =	wrdreg s19  }
0x13: {  	s10 =	sshll.u32 s11, $0x1;
	s13 =	simm.s32 $0x3;
	[dreg:$0xd] =	wrdreg s20  }
0x14: {  	s14 =	simm.s32 $0x800;
	[dreg:$0xe] =	wrdreg s21;
	s15 =	simm.s32 $0x80  }
0x15: {  	s16 =	simm.s32 $0x1000;
	s17 =	simm.s32 $0x5000;
	s18 =	simm.s32 $0x1  }
0x16: {  	s19 =	simm.s32 $0x2;
	[dreg:$0x13] =	wrdreg s26;
	s20 =	simm.s32 $0x480  }
0x17: {  	s21 =	simm.s32 $0xC00;
	s26 =	simm.s32 $0x600;
	s7 =	sadd.s32 s8, s7  }
0x18: {  	s24 =	ssub.s32 s22, s23;
	s25 =	sadd.s32 s9, s2;
	[dreg:$0x15] =	wrdreg s6  }
0x19: {  	s9 =	sshll.u32 s11, $0x3;
	s6 =	sor.u32 $0x80, s10;
	s22 =	simm.s32 $0xA80  }
0x1a: {  	s23 =	simm.s32 $0x380;
	s8 =	simm.s32 $0xF80;
	[dreg:$0xf] =	wrdreg s22  }
0x1b: {  	s10 =	sshrl.u32 s25, $0x3;
	[dreg:$0x10] =	wrdreg s23;
	s25 =	simm.s32 $0x400  }
0x1c: {  	s7 =	sshrl.u32 s7, $0x3;
	s6 =	smov.u32 @p0 s9;
	[dreg:$0x12] =	wrdreg s25  }
0x1d: {  	s5 =	sadd.s32 s7, s5;
	s7 =	smax.u32 s24, $0x1;
	[dreg:$0x1a] =	wrdreg s10  }
0x1e: {  	s22 =	simm.s32 $0x500;
	s24 =	simm.s32 $0xB00;
	[dreg:$0x17] =	wrdreg s7  }
0x1f: {  	s6 =	sshll.u32 s6, $0x8;
	s5 =	sadd.s32 $0x3200, s5;
	[dreg:$0x11] =	wrdreg s24  }
0x20: {  	s23 =	simm.s32 $0xC80;
	s3 =	sadd.s32 s6, s3;
	[dreg:$0x16] =	wrdreg s5  }
0x21: {  	s9 =	simm.s32 $0x0;
	s0 =	sadd.s32 s6, s0;
	[dreg:$0x18] =	wrdreg s3  }
0x22: {  	s25 =	simm.s32 $0xD00;
	s24 =	simm.s32 $0x580;
	[dreg:$0x19] =	wrdreg s0  }
0x23: {  	s0 =	simm.s32 $0xE80;
	s3 =	simm.s32 $0x780;
	s5 =	simm.s32 $0xF00  }
.LBB2_1:
0x24: {  	s7 =	rddreg [dreg:$0x14]  }
0x25: {  	[spmem:s10], [sflag:s12] =	dma.local [hbm:s7], $0x2800  }
0x26: {  	_ =	swait.ge [sflag:s13], $0x2800  }
0x27: {  	[sflag:s13] =	ssyncset.done $0x0  }
0x28: {  	[sflag:s13] =	ssyncadd.s32 $0xFFFFD800  }
0x29: {  	[bflag:$0x0] =	sbarrier.arrive $0xFFFF  }
0x2a: {  	s11 =	rddreg [dreg:$0x19]  }
0x2b: {  	[tilespmem:s4], [sflag:$0x3] =	stream.linear.gather [hbm4b:s11+s4], $0x800, $0x38;
	[tilespmem:$0x1D000] =	vst v63  }
0x2c: {  	_ =	swait.ge [sflag:s13], $0x800  }
0x2d: {  	[sflag:s13] =	ssyncset.done $0x0  }
0x2e: {  	s10 =	rddreg [dreg:$0x18];
	[sflag:s13] =	ssyncadd.s32 $0xFFFFF800  }
0x2f: {  	[tilespmem:s14], [sflag:$0x3] =	stream.linear.gather [hbm4b:s10+s4], $0x800, $0x38;
	[tilespmem:$0x1D000] =	vst v63  }
0x30: {  	_ =	swait.ge [sflag:s13], $0x800  }
0x31: {  	[sflag:s13] =	ssyncset.done $0x0  }
0x32: {  	[sflag:s13] =	ssyncadd.s32 $0xFFFFF800  }
0x33: {  	[tilespmem:s16], [sflag:$0x1] =	stream.indirect.gather [hbm4b:s1+s15], $0x80, s4, s15, $0xb8;
	[tilespmem:$0x1D000] =	vst v63  }
0x34: {  	_ = 	snop  }
0x35: {  	[tilespmem:s17], [sflag:$0x2] =	stream.indirect.gather [hbm4b:s1+s15], $0x80, s15, s15, $0xb8;
	[tilespmem:$0x1D000] =	vst v63  }
0x36: {  	_ =	swait.ge [sflag:s18], $0x4000  }
0x37: {  	[sflag:s18] =	ssyncset.done $0x0  }
0x38: {  	[sflag:s18] =	ssyncadd.s32 $0xFFFFC000  }
0x39: {  	[spmem:s2] =	stream.indirect.scatter.add.f32 [tilespmem:s16], [sflag:$0x3], $0x80, s14, s15, $0xb8;
	[tilespmem:$0x1D000] =	vst v63  }
0x3a: {  	_ =	swait.ge [sflag:s13], $0x4000  }
0x3b: {  	[sflag:s13] =	ssyncset.done $0x0  }
0x3c: {  	s6 =	smov.u32 s12;
	s12 =	rddreg [dreg:$0x6];
	[sflag:s13] =	ssyncadd.s32 $0xFFFFC000  }
0x3d: {  	[tilespmem:s16], [sflag:$0x1] =	stream.indirect.gather [hbm4b:s1+s15], $0x80, s12, s15, $0xb8;
	[tilespmem:$0x1D000] =	vst v63  }
0x3e: {  	_ =	swait.ge [sflag:s19], $0x4000  }
0x3f: {  	[sflag:s19] =	ssyncset.done $0x0  }
0x40: {  	s12 =	rddreg [dreg:$0x7];
	[sflag:s19] =	ssyncadd.s32 $0xFFFFC000  }
0x41: {  	[spmem:s2] =	stream.indirect.scatter.add.f32 [tilespmem:s17], [sflag:$0x3], $0x80, s12, s15, $0xb8;
	[tilespmem:$0x1D000] =	vst v63  }
0x42: {  	_ =	swait.ge [sflag:s13], $0x4000  }
0x43: {  	[sflag:s13] =	ssyncset.done $0x0  }
0x44: {  	s12 =	rddreg [dreg:$0x8];
	[sflag:s13] =	ssyncadd.s32 $0xFFFFC000  }
0x45: {  	[tilespmem:s17], [sflag:$0x2] =	stream.indirect.gather [hbm4b:s1+s15], $0x80, s12, s15, $0xb8;
	[tilespmem:$0x1D000] =	vst v63  }
0x46: {  	_ =	swait.ge [sflag:s18], $0x4000  }
0x47: {  	[sflag:s18] =	ssyncset.done $0x0  }
0x48: {  	s12 =	rddreg [dreg:$0x9];
	[sflag:s18] =	ssyncadd.s32 $0xFFFFC000  }
0x49: {  	[spmem:s2] =	stream.indirect.scatter.add.f32 [tilespmem:s16], [sflag:$0x3], $0x80, s12, s15, $0xb8;
	[tilespmem:$0x1D000] =	vst v63  }
0x4a: {  	_ =	swait.ge [sflag:s13], $0x4000  }
0x4b: {  	[sflag:s13] =	ssyncset.done $0x0  }
0x4c: {  	s12 =	rddreg [dreg:$0xa];
	[sflag:s13] =	ssyncadd.s32 $0xFFFFC000  }
0x4d: {  	[tilespmem:s16], [sflag:$0x1] =	stream.indirect.gather [hbm4b:s1+s15], $0x80, s12, s15, $0xb8;
	[tilespmem:$0x1D000] =	vst v63  }
0x4e: {  	_ =	swait.ge [sflag:s19], $0x4000  }
0x4f: {  	[sflag:s19] =	ssyncset.done $0x0  }
0x50: {  	s12 =	rddreg [dreg:$0xb];
	[sflag:s19] =	ssyncadd.s32 $0xFFFFC000  }
0x51: {  	[spmem:s2] =	stream.indirect.scatter.add.f32 [tilespmem:s17], [sflag:$0x3], $0x80, s12, s15, $0xb8;
	[tilespmem:$0x1D000] =	vst v63  }
0x52: {  	_ =	swait.ge [sflag:s13], $0x4000  }
0x53: {  	[sflag:s13] =	ssyncset.done $0x0  }
0x54: {  	s12 =	rddreg [dreg:$0xc];
	[sflag:s13] =	ssyncadd.s32 $0xFFFFC000  }
0x55: {  	[tilespmem:s17], [sflag:$0x2] =	stream.indirect.gather [hbm4b:s1+s15], $0x80, s12, s15, $0xb8;
	[tilespmem:$0x1D000] =	vst v63  }
0x56: {  	_ =	swait.ge [sflag:s18], $0x4000  }
0x57: {  	[sflag:s18] =	ssyncset.done $0x0  }
0x58: {  	s12 =	rddreg [dreg:$0xd];
	[sflag:s18] =	ssyncadd.s32 $0xFFFFC000  }
0x59: {  	[spmem:s2] =	stream.indirect.scatter.add.f32 [tilespmem:s16], [sflag:$0x3], $0x80, s12, s15, $0xb8;
	[tilespmem:$0x1D000] =	vst v63  }
0x5a: {  	_ =	swait.ge [sflag:s13], $0x4000  }
0x5b: {  	[sflag:s13] =	ssyncset.done $0x0  }
0x5c: {  	s12 =	rddreg [dreg:$0xe];
	[sflag:s13] =	ssyncadd.s32 $0xFFFFC000  }
0x5d: {  	[tilespmem:s16], [sflag:$0x1] =	stream.indirect.gather [hbm4b:s1+s15], $0x80, s12, s15, $0xb8;
	[tilespmem:$0x1D000] =	vst v63  }
0x5e: {  	_ =	swait.ge [sflag:s19], $0x4000  }
0x5f: {  	[sflag:s19] =	ssyncset.done $0x0  }
0x60: {  	s12 =	rddreg [dreg:$0xf];
	[sflag:s19] =	ssyncadd.s32 $0xFFFFC000  }
0x61: {  	[spmem:s2] =	stream.indirect.scatter.add.f32 [tilespmem:s17], [sflag:$0x3], $0x80, s12, s15, $0xb8;
	[tilespmem:$0x1D000] =	vst v63  }
0x62: {  	_ =	swait.ge [sflag:s13], $0x4000  }
0x63: {  	[sflag:s13] =	ssyncset.done $0x0  }
0x64: {  	s12 =	rddreg [dreg:$0x10];
	[sflag:s13] =	ssyncadd.s32 $0xFFFFC000  }
0x65: {  	[tilespmem:s17], [sflag:$0x2] =	stream.indirect.gather [hbm4b:s1+s15], $0x80, s12, s15, $0xb8;
	[tilespmem:$0x1D000] =	vst v63  }
0x66: {  	_ =	swait.ge [sflag:s18], $0x4000  }
0x67: {  	[sflag:s18] =	ssyncset.done $0x0  }
0x68: {  	s12 =	rddreg [dreg:$0x11];
	[sflag:s18] =	ssyncadd.s32 $0xFFFFC000  }
0x69: {  	[spmem:s2] =	stream.indirect.scatter.add.f32 [tilespmem:s16], [sflag:$0x3], $0x80, s12, s15, $0xb8;
	[tilespmem:$0x1D000] =	vst v63  }
0x6a: {  	_ =	swait.ge [sflag:s13], $0x4000  }
0x6b: {  	[sflag:s13] =	ssyncset.done $0x0  }
0x6c: {  	s12 =	rddreg [dreg:$0x12];
	[sflag:s13] =	ssyncadd.s32 $0xFFFFC000  }
0x6d: {  	[tilespmem:s16], [sflag:$0x1] =	stream.indirect.gather [hbm4b:s1+s15], $0x80, s12, s15, $0xb8;
	[tilespmem:$0x1D000] =	vst v63  }
0x6e: {  	_ =	swait.ge [sflag:s19], $0x4000  }
0x6f: {  	[sflag:s19] =	ssyncset.done $0x0  }
0x70: {  	s12 =	rddreg [dreg:$0x13];
	[sflag:s19] =	ssyncadd.s32 $0xFFFFC000  }
0x71: {  	[spmem:s2] =	stream.indirect.scatter.add.f32 [tilespmem:s17], [sflag:$0x3], $0x80, s12, s15, $0xb8;
	[tilespmem:$0x1D000] =	vst v63  }
0x72: {  	_ =	swait.ge [sflag:s13], $0x4000  }
0x73: {  	[sflag:s13] =	ssyncset.done $0x0  }
0x74: {  	[sflag:s13] =	ssyncadd.s32 $0xFFFFC000  }
0x75: {  	[tilespmem:s17], [sflag:$0x2] =	stream.indirect.gather [hbm4b:s1+s15], $0x80, s20, s15, $0xb8;
	[tilespmem:$0x1D000] =	vst v63  }
0x76: {  	_ =	swait.ge [sflag:s18], $0x4000  }
0x77: {  	[sflag:s18] =	ssyncset.done $0x0  }
0x78: {  	[sflag:s18] =	ssyncadd.s32 $0xFFFFC000  }
0x79: {  	[spmem:s2] =	stream.indirect.scatter.add.f32 [tilespmem:s16], [sflag:$0x3], $0x80, s21, s15, $0xb8;
	[tilespmem:$0x1D000] =	vst v63  }
0x7a: {  	_ =	swait.ge [sflag:s13], $0x4000  }
0x7b: {  	[sflag:s13] =	ssyncset.done $0x0  }
0x7c: {  	[sflag:s13] =	ssyncadd.s32 $0xFFFFC000  }
0x7d: {  	[tilespmem:s16], [sflag:$0x1] =	stream.indirect.gather [hbm4b:s1+s15], $0x80, s22, s15, $0xb8;
	[tilespmem:$0x1D000] =	vst v63  }
0x7e: {  	_ =	swait.ge [sflag:s19], $0x4000  }
0x7f: {  	[sflag:s19] =	ssyncset.done $0x0  }
0x80: {  	[sflag:s19] =	ssyncadd.s32 $0xFFFFC000  }
0x81: {  	[spmem:s2] =	stream.indirect.scatter.add.f32 [tilespmem:s17], [sflag:$0x3], $0x80, s23, s15, $0xb8;
	[tilespmem:$0x1D000] =	vst v63  }
0x82: {  	_ =	swait.ge [sflag:s13], $0x4000  }
0x83: {  	[sflag:s13] =	ssyncset.done $0x0  }
0x84: {  	[sflag:s13] =	ssyncadd.s32 $0xFFFFC000  }
0x85: {  	[tilespmem:s17], [sflag:$0x2] =	stream.indirect.gather [hbm4b:s1+s15], $0x80, s24, s15, $0xb8;
	[tilespmem:$0x1D000] =	vst v63  }
0x86: {  	_ =	swait.ge [sflag:s18], $0x4000  }
0x87: {  	[sflag:s18] =	ssyncset.done $0x0  }
0x88: {  	[sflag:s18] =	ssyncadd.s32 $0xFFFFC000  }
0x89: {  	[spmem:s2] =	stream.indirect.scatter.add.f32 [tilespmem:s16], [sflag:$0x3], $0x80, s25, s15, $0xb8;
	[tilespmem:$0x1D000] =	vst v63  }
0x8a: {  	_ =	swait.ge [sflag:s13], $0x4000  }
0x8b: {  	[sflag:s13] =	ssyncset.done $0x0  }
0x8c: {  	[sflag:s13] =	ssyncadd.s32 $0xFFFFC000  }
0x8d: {  	[tilespmem:s16], [sflag:$0x1] =	stream.indirect.gather [hbm4b:s1+s15], $0x80, s26, s15, $0xb8;
	[tilespmem:$0x1D000] =	vst v63  }
0x8e: {  	_ =	swait.ge [sflag:s19], $0x4000  }
0x8f: {  	[sflag:s19] =	ssyncset.done $0x0  }
0x90: {  	[sflag:s19] =	ssyncadd.s32 $0xFFFFC000  }
0x91: {  	[spmem:s2] =	stream.indirect.scatter.add.f32 [tilespmem:s17], [sflag:$0x3], $0x80, s28, s15, $0xb8;
	[tilespmem:$0x1D000] =	vst v63  }
0x92: {  	_ =	swait.ge [sflag:s13], $0x4000  }
0x93: {  	[sflag:s13] =	ssyncset.done $0x0  }
0x94: {  	[sflag:s13] =	ssyncadd.s32 $0xFFFFC000  }
0x95: {  	[tilespmem:s17], [sflag:$0x2] =	stream.indirect.gather [hbm4b:s1+s15], $0x80, s29, s15, $0xb8;
	[tilespmem:$0x1D000] =	vst v63  }
0x96: {  	_ =	swait.ge [sflag:s18], $0x4000  }
0x97: {  	[sflag:s18] =	ssyncset.done $0x0  }
0x98: {  	[sflag:s18] =	ssyncadd.s32 $0xFFFFC000  }
0x99: {  	[spmem:s2] =	stream.indirect.scatter.add.f32 [tilespmem:s16], [sflag:$0x3], $0x80, s30, s15, $0xb8;
	[tilespmem:$0x1D000] =	vst v63  }
0x9a: {  	_ =	swait.ge [sflag:s13], $0x4000  }
0x9b: {  	[sflag:s13] =	ssyncset.done $0x0  }
0x9c: {  	[sflag:s13] =	ssyncadd.s32 $0xFFFFC000  }
0x9d: {  	[tilespmem:s16], [sflag:$0x1] =	stream.indirect.gather [hbm4b:s1+s15], $0x80, s31, s15, $0xb8;
	[tilespmem:$0x1D000] =	vst v63  }
0x9e: {  	_ =	swait.ge [sflag:s19], $0x4000  }
0x9f: {  	[sflag:s19] =	ssyncset.done $0x0  }
0xa0: {  	[sflag:s19] =	ssyncadd.s32 $0xFFFFC000  }
0xa1: {  	[spmem:s2] =	stream.indirect.scatter.add.f32 [tilespmem:s17], [sflag:$0x3], $0x80, s0, s15, $0xb8;
	[tilespmem:$0x1D000] =	vst v63  }
0xa2: {  	_ =	swait.ge [sflag:s13], $0x4000  }
0xa3: {  	[sflag:s13] =	ssyncset.done $0x0  }
0xa4: {  	[sflag:s13] =	ssyncadd.s32 $0xFFFFC000  }
0xa5: {  	[tilespmem:s17], [sflag:$0x2] =	stream.indirect.gather [hbm4b:s1+s15], $0x80, s3, s15, $0xb8;
	[tilespmem:$0x1D000] =	vst v63  }
0xa6: {  	_ =	swait.ge [sflag:s18], $0x4000  }
0xa7: {  	[sflag:s18] =	ssyncset.done $0x0  }
0xa8: {  	[sflag:s18] =	ssyncadd.s32 $0xFFFFC000  }
0xa9: {  	[spmem:s2] =	stream.indirect.scatter.add.f32 [tilespmem:s16], [sflag:$0x3], $0x80, s5, s15, $0xb8;
	[tilespmem:$0x1D000] =	vst v63  }
0xaa: {  	_ =	swait.ge [sflag:s13], $0x4000  }
0xab: {  	[sflag:s13] =	ssyncset.done $0x0  }
0xac: {  	[sflag:s13] =	ssyncadd.s32 $0xFFFFC000  }
0xad: {  	_ =	swait.ge [sflag:s19], $0x4000  }
0xae: {  	s12 =	rddreg [dreg:$0x15]  }
0xaf: {  	p0 =	sne.s32 s12, $0x1  }
.Ltmp0:
0xb0: {  	[sflag:s19] =	ssyncset.done $0x0;
	(pc) =	sbr.rel @!p0 .LBB2_3-.Ltmp0, $4  }
0xb1: {  	[sflag:s19] =	ssyncadd.s32 $0xFFFFC000  }
0xb2: {  	[spmem:s2] =	stream.indirect.scatter.add.f32 [tilespmem:s17], [sflag:$0x3], $0x80, s8, s15, $0xb8;
	[tilespmem:$0x1D000] =	vst v63  }
0xb3: {  	_ =	swait.ge [sflag:s13], $0x4000  }
0xb4: {  	s7 =	sadd.s32 $0xFFFFFFFF, s12;
	[sflag:s13] =	ssyncset.done $0x0  }
.LBB2_2:
0xb5: {  	[sflag:s13] =	ssyncadd.s32 $0xFFFFC000;
	s11 =	sadd.s32 $0x100, s11  }
0xb6: {  	[tilespmem:s4], [sflag:$0x3] =	stream.linear.gather [hbm4b:s11+s4], $0x800, $0x38;
	[tilespmem:$0x1D000] =	vst v63  }
0xb7: {  	_ =	swait.ge [sflag:s13], $0x800  }
0xb8: {  	[sflag:s13] =	ssyncset.done $0x0  }
0xb9: {  	s10 =	sadd.s32 $0x100, s10;
	[sflag:s13] =	ssyncadd.s32 $0xFFFFF800  }
0xba: {  	[tilespmem:s14], [sflag:$0x3] =	stream.linear.gather [hbm4b:s10+s4], $0x800, $0x38;
	[tilespmem:$0x1D000] =	vst v63  }
0xbb: {  	_ =	swait.ge [sflag:s13], $0x800  }
0xbc: {  	[sflag:s13] =	ssyncset.done $0x0  }
0xbd: {  	[sflag:s13] =	ssyncadd.s32 $0xFFFFF800  }
0xbe: {  	[tilespmem:s16], [sflag:$0x1] =	stream.indirect.gather [hbm4b:s1+s15], $0x80, s4, s15, $0xb8;
	[tilespmem:$0x1D000] =	vst v63  }
0xbf: {  	_ = 	snop  }
0xc0: {  	[tilespmem:s17], [sflag:$0x2] =	stream.indirect.gather [hbm4b:s1+s15], $0x80, s15, s15, $0xb8;
	[tilespmem:$0x1D000] =	vst v63  }
0xc1: {  	_ =	swait.ge [sflag:s18], $0x4000  }
0xc2: {  	[sflag:s18] =	ssyncset.done $0x0  }
0xc3: {  	[sflag:s18] =	ssyncadd.s32 $0xFFFFC000  }
0xc4: {  	[spmem:s2] =	stream.indirect.scatter.add.f32 [tilespmem:s16], [sflag:$0x3], $0x80, s14, s15, $0xb8;
	[tilespmem:$0x1D000] =	vst v63  }
0xc5: {  	_ =	swait.ge [sflag:s13], $0x4000  }
0xc6: {  	[sflag:s13] =	ssyncset.done $0x0  }
0xc7: {  	s12 =	rddreg [dreg:$0x6];
	[sflag:s13] =	ssyncadd.s32 $0xFFFFC000  }
0xc8: {  	[tilespmem:s16], [sflag:$0x1] =	stream.indirect.gather [hbm4b:s1+s15], $0x80, s12, s15, $0xb8;
	[tilespmem:$0x1D000] =	vst v63  }
0xc9: {  	_ =	swait.ge [sflag:s19], $0x4000  }
0xca: {  	[sflag:s19] =	ssyncset.done $0x0  }
0xcb: {  	s12 =	rddreg [dreg:$0x7];
	[sflag:s19] =	ssyncadd.s32 $0xFFFFC000  }
0xcc: {  	[spmem:s2] =	stream.indirect.scatter.add.f32 [tilespmem:s17], [sflag:$0x3], $0x80, s12, s15, $0xb8;
	[tilespmem:$0x1D000] =	vst v63  }
0xcd: {  	_ =	swait.ge [sflag:s13], $0x4000  }
0xce: {  	[sflag:s13] =	ssyncset.done $0x0  }
0xcf: {  	s12 =	rddreg [dreg:$0x8];
	[sflag:s13] =	ssyncadd.s32 $0xFFFFC000  }
0xd0: {  	[tilespmem:s17], [sflag:$0x2] =	stream.indirect.gather [hbm4b:s1+s15], $0x80, s12, s15, $0xb8;
	[tilespmem:$0x1D000] =	vst v63  }
0xd1: {  	_ =	swait.ge [sflag:s18], $0x4000  }
0xd2: {  	[sflag:s18] =	ssyncset.done $0x0  }
0xd3: {  	s12 =	rddreg [dreg:$0x9];
	[sflag:s18] =	ssyncadd.s32 $0xFFFFC000  }
0xd4: {  	[spmem:s2] =	stream.indirect.scatter.add.f32 [tilespmem:s16], [sflag:$0x3], $0x80, s12, s15, $0xb8;
	[tilespmem:$0x1D000] =	vst v63  }
0xd5: {  	_ =	swait.ge [sflag:s13], $0x4000  }
0xd6: {  	[sflag:s13] =	ssyncset.done $0x0  }
0xd7: {  	s12 =	rddreg [dreg:$0xa];
	[sflag:s13] =	ssyncadd.s32 $0xFFFFC000  }
0xd8: {  	[tilespmem:s16], [sflag:$0x1] =	stream.indirect.gather [hbm4b:s1+s15], $0x80, s12, s15, $0xb8;
	[tilespmem:$0x1D000] =	vst v63  }
0xd9: {  	_ =	swait.ge [sflag:s19], $0x4000  }
0xda: {  	[sflag:s19] =	ssyncset.done $0x0  }
0xdb: {  	s12 =	rddreg [dreg:$0xb];
	[sflag:s19] =	ssyncadd.s32 $0xFFFFC000  }
0xdc: {  	[spmem:s2] =	stream.indirect.scatter.add.f32 [tilespmem:s17], [sflag:$0x3], $0x80, s12, s15, $0xb8;
	[tilespmem:$0x1D000] =	vst v63  }
0xdd: {  	_ =	swait.ge [sflag:s13], $0x4000  }
0xde: {  	[sflag:s13] =	ssyncset.done $0x0  }
0xdf: {  	s12 =	rddreg [dreg:$0xc];
	[sflag:s13] =	ssyncadd.s32 $0xFFFFC000  }
0xe0: {  	[tilespmem:s17], [sflag:$0x2] =	stream.indirect.gather [hbm4b:s1+s15], $0x80, s12, s15, $0xb8;
	[tilespmem:$0x1D000] =	vst v63  }
0xe1: {  	_ =	swait.ge [sflag:s18], $0x4000  }
0xe2: {  	[sflag:s18] =	ssyncset.done $0x0  }
0xe3: {  	s12 =	rddreg [dreg:$0xd];
	[sflag:s18] =	ssyncadd.s32 $0xFFFFC000  }
0xe4: {  	[spmem:s2] =	stream.indirect.scatter.add.f32 [tilespmem:s16], [sflag:$0x3], $0x80, s12, s15, $0xb8;
	[tilespmem:$0x1D000] =	vst v63  }
0xe5: {  	_ =	swait.ge [sflag:s13], $0x4000  }
0xe6: {  	[sflag:s13] =	ssyncset.done $0x0  }
0xe7: {  	s12 =	rddreg [dreg:$0xe];
	[sflag:s13] =	ssyncadd.s32 $0xFFFFC000  }
0xe8: {  	[tilespmem:s16], [sflag:$0x1] =	stream.indirect.gather [hbm4b:s1+s15], $0x80, s12, s15, $0xb8;
	[tilespmem:$0x1D000] =	vst v63  }
0xe9: {  	_ =	swait.ge [sflag:s19], $0x4000  }
0xea: {  	[sflag:s19] =	ssyncset.done $0x0  }
0xeb: {  	s12 =	rddreg [dreg:$0xf];
	[sflag:s19] =	ssyncadd.s32 $0xFFFFC000  }
0xec: {  	[spmem:s2] =	stream.indirect.scatter.add.f32 [tilespmem:s17], [sflag:$0x3], $0x80, s12, s15, $0xb8;
	[tilespmem:$0x1D000] =	vst v63  }
0xed: {  	_ =	swait.ge [sflag:s13], $0x4000  }
0xee: {  	[sflag:s13] =	ssyncset.done $0x0  }
0xef: {  	s12 =	rddreg [dreg:$0x10];
	[sflag:s13] =	ssyncadd.s32 $0xFFFFC000  }
0xf0: {  	[tilespmem:s17], [sflag:$0x2] =	stream.indirect.gather [hbm4b:s1+s15], $0x80, s12, s15, $0xb8;
	[tilespmem:$0x1D000] =	vst v63  }
0xf1: {  	_ =	swait.ge [sflag:s18], $0x4000  }
0xf2: {  	[sflag:s18] =	ssyncset.done $0x0  }
0xf3: {  	s12 =	rddreg [dreg:$0x11];
	[sflag:s18] =	ssyncadd.s32 $0xFFFFC000  }
0xf4: {  	[spmem:s2] =	stream.indirect.scatter.add.f32 [tilespmem:s16], [sflag:$0x3], $0x80, s12, s15, $0xb8;
	[tilespmem:$0x1D000] =	vst v63  }
0xf5: {  	_ =	swait.ge [sflag:s13], $0x4000  }
0xf6: {  	[sflag:s13] =	ssyncset.done $0x0  }
0xf7: {  	s12 =	rddreg [dreg:$0x12];
	[sflag:s13] =	ssyncadd.s32 $0xFFFFC000  }
0xf8: {  	[tilespmem:s16], [sflag:$0x1] =	stream.indirect.gather [hbm4b:s1+s15], $0x80, s12, s15, $0xb8;
	[tilespmem:$0x1D000] =	vst v63  }
0xf9: {  	_ =	swait.ge [sflag:s19], $0x4000  }
0xfa: {  	[sflag:s19] =	ssyncset.done $0x0  }
0xfb: {  	s12 =	rddreg [dreg:$0x13];
	[sflag:s19] =	ssyncadd.s32 $0xFFFFC000  }
0xfc: {  	[spmem:s2] =	stream.indirect.scatter.add.f32 [tilespmem:s17], [sflag:$0x3], $0x80, s12, s15, $0xb8;
	[tilespmem:$0x1D000] =	vst v63  }
0xfd: {  	_ =	swait.ge [sflag:s13], $0x4000  }
0xfe: {  	[sflag:s13] =	ssyncset.done $0x0  }
0xff: {  	[sflag:s13] =	ssyncadd.s32 $0xFFFFC000  }
0x100: {  	[tilespmem:s17], [sflag:$0x2] =	stream.indirect.gather [hbm4b:s1+s15], $0x80, s20, s15, $0xb8;
	[tilespmem:$0x1D000] =	vst v63  }
0x101: {  	_ =	swait.ge [sflag:s18], $0x4000  }
0x102: {  	[sflag:s18] =	ssyncset.done $0x0  }
0x103: {  	[sflag:s18] =	ssyncadd.s32 $0xFFFFC000  }
0x104: {  	[spmem:s2] =	stream.indirect.scatter.add.f32 [tilespmem:s16], [sflag:$0x3], $0x80, s21, s15, $0xb8;
	[tilespmem:$0x1D000] =	vst v63  }
0x105: {  	_ =	swait.ge [sflag:s13], $0x4000  }
0x106: {  	[sflag:s13] =	ssyncset.done $0x0  }
0x107: {  	[sflag:s13] =	ssyncadd.s32 $0xFFFFC000  }
0x108: {  	[tilespmem:s16], [sflag:$0x1] =	stream.indirect.gather [hbm4b:s1+s15], $0x80, s22, s15, $0xb8;
	[tilespmem:$0x1D000] =	vst v63  }
0x109: {  	_ =	swait.ge [sflag:s19], $0x4000  }
0x10a: {  	[sflag:s19] =	ssyncset.done $0x0  }
0x10b: {  	[sflag:s19] =	ssyncadd.s32 $0xFFFFC000  }
0x10c: {  	[spmem:s2] =	stream.indirect.scatter.add.f32 [tilespmem:s17], [sflag:$0x3], $0x80, s23, s15, $0xb8;
	[tilespmem:$0x1D000] =	vst v63  }
0x10d: {  	_ =	swait.ge [sflag:s13], $0x4000  }
0x10e: {  	[sflag:s13] =	ssyncset.done $0x0  }
0x10f: {  	[sflag:s13] =	ssyncadd.s32 $0xFFFFC000  }
0x110: {  	[tilespmem:s17], [sflag:$0x2] =	stream.indirect.gather [hbm4b:s1+s15], $0x80, s24, s15, $0xb8;
	[tilespmem:$0x1D000] =	vst v63  }
0x111: {  	_ =	swait.ge [sflag:s18], $0x4000  }
0x112: {  	[sflag:s18] =	ssyncset.done $0x0  }
0x113: {  	[sflag:s18] =	ssyncadd.s32 $0xFFFFC000  }
0x114: {  	[spmem:s2] =	stream.indirect.scatter.add.f32 [tilespmem:s16], [sflag:$0x3], $0x80, s25, s15, $0xb8;
	[tilespmem:$0x1D000] =	vst v63  }
0x115: {  	_ =	swait.ge [sflag:s13], $0x4000  }
0x116: {  	[sflag:s13] =	ssyncset.done $0x0  }
0x117: {  	[sflag:s13] =	ssyncadd.s32 $0xFFFFC000  }
0x118: {  	[tilespmem:s16], [sflag:$0x1] =	stream.indirect.gather [hbm4b:s1+s15], $0x80, s26, s15, $0xb8;
	[tilespmem:$0x1D000] =	vst v63  }
0x119: {  	_ =	swait.ge [sflag:s19], $0x4000  }
0x11a: {  	[sflag:s19] =	ssyncset.done $0x0  }
0x11b: {  	[sflag:s19] =	ssyncadd.s32 $0xFFFFC000  }
0x11c: {  	[spmem:s2] =	stream.indirect.scatter.add.f32 [tilespmem:s17], [sflag:$0x3], $0x80, s28, s15, $0xb8;
	[tilespmem:$0x1D000] =	vst v63  }
0x11d: {  	_ =	swait.ge [sflag:s13], $0x4000  }
0x11e: {  	[sflag:s13] =	ssyncset.done $0x0  }
0x11f: {  	[sflag:s13] =	ssyncadd.s32 $0xFFFFC000  }
0x120: {  	[tilespmem:s17], [sflag:$0x2] =	stream.indirect.gather [hbm4b:s1+s15], $0x80, s29, s15, $0xb8;
	[tilespmem:$0x1D000] =	vst v63  }
0x121: {  	_ =	swait.ge [sflag:s18], $0x4000  }
0x122: {  	[sflag:s18] =	ssyncset.done $0x0  }
0x123: {  	[sflag:s18] =	ssyncadd.s32 $0xFFFFC000  }
0x124: {  	[spmem:s2] =	stream.indirect.scatter.add.f32 [tilespmem:s16], [sflag:$0x3], $0x80, s30, s15, $0xb8;
	[tilespmem:$0x1D000] =	vst v63  }
0x125: {  	_ =	swait.ge [sflag:s13], $0x4000  }
0x126: {  	[sflag:s13] =	ssyncset.done $0x0  }
0x127: {  	[sflag:s13] =	ssyncadd.s32 $0xFFFFC000  }
0x128: {  	[tilespmem:s16], [sflag:$0x1] =	stream.indirect.gather [hbm4b:s1+s15], $0x80, s31, s15, $0xb8;
	[tilespmem:$0x1D000] =	vst v63  }
0x129: {  	_ =	swait.ge [sflag:s19], $0x4000  }
0x12a: {  	[sflag:s19] =	ssyncset.done $0x0  }
0x12b: {  	[sflag:s19] =	ssyncadd.s32 $0xFFFFC000  }
0x12c: {  	[spmem:s2] =	stream.indirect.scatter.add.f32 [tilespmem:s17], [sflag:$0x3], $0x80, s0, s15, $0xb8;
	[tilespmem:$0x1D000] =	vst v63  }
0x12d: {  	_ =	swait.ge [sflag:s13], $0x4000  }
0x12e: {  	[sflag:s13] =	ssyncset.done $0x0  }
0x12f: {  	[sflag:s13] =	ssyncadd.s32 $0xFFFFC000  }
0x130: {  	[tilespmem:s17], [sflag:$0x2] =	stream.indirect.gather [hbm4b:s1+s15], $0x80, s3, s15, $0xb8;
	[tilespmem:$0x1D000] =	vst v63  }
0x131: {  	_ =	swait.ge [sflag:s18], $0x4000  }
0x132: {  	[sflag:s18] =	ssyncset.done $0x0  }
0x133: {  	[sflag:s18] =	ssyncadd.s32 $0xFFFFC000  }
0x134: {  	[spmem:s2] =	stream.indirect.scatter.add.f32 [tilespmem:s16], [sflag:$0x3], $0x80, s5, s15, $0xb8;
	[tilespmem:$0x1D000] =	vst v63  }
0x135: {  	_ =	swait.ge [sflag:s13], $0x4000  }
0x136: {  	[sflag:s13] =	ssyncset.done $0x0  }
0x137: {  	[sflag:s13] =	ssyncadd.s32 $0xFFFFC000  }
0x138: {  	p0 =	sne.s32 s7, $0x1;
	_ =	swait.ge [sflag:s19], $0x4000  }
.Ltmp1:
0x139: {  	[sflag:s19] =	ssyncset.done $0x0;
	(pc) =	sbr.rel @p0 .LBB2_2-.Ltmp1, $4  }
0x13a: {  	[sflag:s19] =	ssyncadd.s32 $0xFFFFC000  }
0x13b: {  	[spmem:s2] =	stream.indirect.scatter.add.f32 [tilespmem:s17], [sflag:$0x3], $0x80, s8, s15, $0xb8;
	[tilespmem:$0x1D000] =	vst v63  }
0x13c: {  	_ =	swait.ge [sflag:s13], $0x4000  }
0x13d: {  	s7 =	sadd.s32 $0xFFFFFFFF, s7;
	[sflag:s13] =	ssyncset.done $0x0  }
.LBB2_3:
0x13e: {  	[sflag:s13] =	ssyncadd.s32 $0xFFFFC000  }
0x13f: {  	[bflag:$0x0] =	sbarrier.arrive $0xFFFF  }
0x140: {  	s7 =	rddreg [dreg:$0x16]  }
0x141: {  	s12 =	smov.u32 s6;
	s10 =	rddreg [dreg:$0x1a]  }
0x142: {  	[hbm:s7], [sflag:s12] =	dma.local [spmem:s10], $0x2800  }
0x143: {  	_ =	swait.ge [sflag:s13], $0x2800  }
0x144: {  	s9 =	sadd.s32 $0x1, s9;
	s11 =	rddreg [dreg:$0x17]  }
0x145: {  	p0 =	sne.s32 s9, s11  }
.Ltmp2:
0x146: {  	_ = 	snop;
	(pc) =	sbr.rel @p0 .LBB2_1-.Ltmp2, $3  }
0x147: {  	_ =	sdelay $0x1  }
0x148: {  	[sflag:s13] =	ssyncset.done $0x0  }
0x149: {  	[sflag:s13] =	ssyncadd.s32 $0xFFFFD800  }
0x14a: {  	_ =	sfence.sel $0x180000  }
0x14b: {  	[bflag:$0x0] =	sbarrier.arrive $0xFFFF  }
0x14c: {  	_ =	strace $0x90000047  }
0x14d: {  	s0 =	stileid.u32;
	[bflag:$0x2] =	sbarrier.arrive $0xFFFF  }
0x14e: {  	p0 =	sne.s32 s0, $0x0;
	s0 =	rddreg [dreg:$0x5]  }
0x14f: {  	s0 =	sadd.s32 @!p0 $0x100000, s0  }
0x150: {  	[sflag:s0] =	ssyncadd.tile.s32 @!p0 $0x1;
	_ =	shalt  }
.Lfunc_end2:
_tile_overlayer_lowered:
.L_overlay_start_2:
0x151: {  	(tag) =	ssettag $0x2  }
0x152: {  	s0 =	rddreg [dreg:$0x0];
	s2 =	stileid.u32  }
0x153: {  	s1 =	rddreg [dreg:$0x1];
	p0 =	sne.s32 s2, $0x0  }
0x154: {  	s3 =	rddreg [dreg:$0x2];
	[bflag:$0x3] =	sbarrier.arrive $0xFFFF;
	s2 =	simm.s32 @!p0 $0x1C03  }
0x155: {  	[timem:s3], [sflag:s2] =	dma.local @!p0 [hbm:s0], s1  }
0x156: {  	s0 =	simm.s32 @!p0 $0x3  }
0x157: {  	_ =	swait.ge @!p0 [sflag:s0], s1  }
0x158: {  	s1 =	ssub.s32 @!p0 $0x0, s1;
	[sflag:s0] =	ssyncset.done @!p0 $0x0  }
0x159: {  	[sflag:s0] =	ssyncadd.s32 @!p0 s1  }
0x15a: {  	[bflag:$0x3] =	sbarrier.arrive $0xFFFF  }
0x15b: {  	_ =	shalt  }

</sc_bundles>
